<compile_context>
chip_gen: v7x
topology: tpu7x:2x2x1
jax: 0.10.2.dev20260603
libtpu: 0.0.44.dev20260713+nightly
codegen_flags: <defaults>
</compile_context>

<pallas_src>
import jax
import jax.numpy as jnp
from jax import lax
from jax.experimental import pallas as pl
from jax.experimental.pallas import tpu as pltpu
from jax.experimental.pallas import tpu_sc as plsc

V, D, H = 4316, 768, 768
B, L = 64, 50
G4 = 4 * H

NC, NS = 2, 16
NW = NC * NS
ROWS = B * L
ROWS_PAD = 3328
R_PER_W = ROWS_PAD // NW

CT = 5
CB = CT * B
NCHUNK = L // CT

_DN_T = (((1,), (1,)), ((), ()))


def _gather_body(table_hbm, idx_hbm, out_hbm, idx_v, rows_v, sem):
    wid = lax.axis_index("s") * NC + lax.axis_index("c")
    base = wid * R_PER_W
    pltpu.sync_copy(idx_hbm.at[pl.ds(base, R_PER_W)], idx_v)
    pltpu.async_copy(table_hbm.at[idx_v], rows_v, sem).wait()
    pltpu.sync_copy(rows_v, out_hbm.at[pl.ds(base, R_PER_W)])


_sc_gather = pl.kernel(
    _gather_body,
    out_type=jax.ShapeDtypeStruct((ROWS_PAD, D), jnp.float32),
    mesh=plsc.VectorSubcoreMesh(
        core_axis_name="c", subcore_axis_name="s", num_cores=NC, num_subcores=NS
    ),
    scratch_types=[
        pltpu.VMEM((R_PER_W,), jnp.int32),
        pltpu.VMEM((R_PER_W, D), jnp.float32),
        pltpu.SemaphoreType.DMA,
    ],
)


def _lstm_body(
    pe_hbm, w0i, w0h, b0, w1i, w1h, b1,
    out_hbm, pe_out_hbm, hn, cn,
    peb, xc, ys0c, outb, h0, c0, h1, c1, sem_in, sem_out, sem_pe,
):
    zero = jnp.zeros((B, H), jnp.float32)
    h0[...] = zero
    c0[...] = zero
    h1[...] = zero
    c1[...] = zero

    def lstm_step(gates, c_ref):
        i = jax.nn.sigmoid(gates[:, 0 * H:1 * H])
        f = jax.nn.sigmoid(gates[:, 1 * H:2 * H])
        g = jnp.tanh(gates[:, 2 * H:3 * H])
        o = jax.nn.sigmoid(gates[:, 3 * H:4 * H])
        c = f * c_ref[...] + i * g
        c_ref[...] = c
        return o * jnp.tanh(c)

    def chunk(k, _):
        t0 = k * CT
        cp_in = pltpu.make_async_copy(pe_hbm.at[pl.ds(k * CB, CB)], peb, sem_in)
        cp_in.start()
        cp_in.wait()

        pe_cps = []
        for t in range(CT):
            cp = pltpu.make_async_copy(
                peb.at[pl.ds(t * B, B), :], pe_out_hbm.at[:, t0 + t, :], sem_pe
            )
            cp.start()
            pe_cps.append(cp)

        xc[...] = lax.dot_general(
            peb[...].astype(jnp.bfloat16), w0i[...], _DN_T,
            preferred_element_type=jnp.float32,
        ) + b0[...]

        def step0(t, _):
            gates = xc[pl.ds(t * B, B), :] + lax.dot_general(
                h0[...].astype(jnp.bfloat16), w0h[...], _DN_T,
                preferred_element_type=jnp.float32,
            )
            h = lstm_step(gates, c0)
            h0[...] = h
            ys0c[pl.ds(t * B, B), :] = h
            return 0

        lax.fori_loop(0, CT, step0, 0)

        xc[...] = lax.dot_general(
            ys0c[...].astype(jnp.bfloat16), w1i[...], _DN_T,
            preferred_element_type=jnp.float32,
        ) + b1[...]

        out_cps = []
        for t in range(CT):
            gates = xc[pl.ds(t * B, B), :] + lax.dot_general(
                h1[...].astype(jnp.bfloat16), w1h[...], _DN_T,
                preferred_element_type=jnp.float32,
            )
            h = lstm_step(gates, c1)
            h1[...] = h
            outb[pl.ds(t * B, B), :] = h
            cp = pltpu.make_async_copy(
                outb.at[pl.ds(t * B, B), :], out_hbm.at[:, t0 + t, :], sem_out
            )
            cp.start()
            out_cps.append(cp)

        for cp in pe_cps:
            cp.wait()
        for cp in out_cps:
            cp.wait()
        return 0

    lax.fori_loop(0, NCHUNK, chunk, 0)

    hn[0, :, :] = h0[...]
    hn[1, :, :] = h1[...]
    cn[0, :, :] = c0[...]
    cn[1, :, :] = c1[...]


_lstm = pl.pallas_call(
    _lstm_body,
    out_shape=[
        jax.ShapeDtypeStruct((B, L, H), jnp.float32),
        jax.ShapeDtypeStruct((B, L, D), jnp.float32),
        jax.ShapeDtypeStruct((2, B, H), jnp.float32),
        jax.ShapeDtypeStruct((2, B, H), jnp.float32),
    ],
    in_specs=[
        pl.BlockSpec(memory_space=pl.ANY),
        pl.BlockSpec(memory_space=pltpu.MemorySpace.VMEM),
        pl.BlockSpec(memory_space=pltpu.MemorySpace.VMEM),
        pl.BlockSpec(memory_space=pltpu.MemorySpace.VMEM),
        pl.BlockSpec(memory_space=pltpu.MemorySpace.VMEM),
        pl.BlockSpec(memory_space=pltpu.MemorySpace.VMEM),
        pl.BlockSpec(memory_space=pltpu.MemorySpace.VMEM),
    ],
    out_specs=[
        pl.BlockSpec(memory_space=pl.ANY),
        pl.BlockSpec(memory_space=pl.ANY),
        pl.BlockSpec(memory_space=pltpu.MemorySpace.VMEM),
        pl.BlockSpec(memory_space=pltpu.MemorySpace.VMEM),
    ],
    scratch_shapes=[
        pltpu.VMEM((CB, D), jnp.float32),
        pltpu.VMEM((CB, G4), jnp.float32),
        pltpu.VMEM((CB, H), jnp.float32),
        pltpu.VMEM((CB, H), jnp.float32),
        pltpu.VMEM((B, H), jnp.float32),
        pltpu.VMEM((B, H), jnp.float32),
        pltpu.VMEM((B, H), jnp.float32),
        pltpu.VMEM((B, H), jnp.float32),
        pltpu.SemaphoreType.DMA,
        pltpu.SemaphoreType.DMA,
        pltpu.SemaphoreType.DMA,
    ],
)


@jax.jit
def kernel(path, emb, W_ih0, W_hh0, b_ih0, b_hh0, W_ih1, W_hh1, b_ih1, b_hh1):
    idx = path.astype(jnp.int32).T.reshape(-1)
    idx_pad = jnp.concatenate([idx, jnp.zeros((ROWS_PAD - ROWS,), jnp.int32)])
    pe_t_pad = _sc_gather(emb, idx_pad)

    bf = jnp.bfloat16
    outputs, pe, hn, cn = _lstm(
        pe_t_pad,
        W_ih0.astype(bf), W_hh0.astype(bf), (b_ih0 + b_hh0).reshape(1, G4),
        W_ih1.astype(bf), W_hh1.astype(bf), (b_ih1 + b_hh1).reshape(1, G4),
    )
    return outputs, (hn, cn), pe

# --- scband reference (transcript-rebuilt; emitter-appended) ---
"""Pipeline reference for scband-encoder-lstm-72739566125858 (READ-ONLY COPY).

The authoritative reference and input builder live on the scoring server;
editing this copy changes nothing except your own understanding.
"""

import jax, jax.numpy as jnp
import numpy as np

V, D, H = 4316, 768, 768
B, L = 64, 50


def _lstm_layer(xs, W_ih, W_hh, b_ih, b_hh):
    # xs: [T, B, in_dim]; PyTorch gate order i, f, g, o
    Bc = xs.shape[1]
    Hc = W_hh.shape[1]
    def step(carry, x):
        h, c = carry
        gates = x @ W_ih.T + h @ W_hh.T + b_ih + b_hh
        i, f, g, o = jnp.split(gates, 4, axis=-1)
        i = jax.nn.sigmoid(i)
        f = jax.nn.sigmoid(f)
        g = jnp.tanh(g)
        o = jax.nn.sigmoid(o)
        c = f * c + i * g
        h = o * jnp.tanh(c)
        return (h, c), h
    init = (jnp.zeros((Bc, Hc), xs.dtype), jnp.zeros((Bc, Hc), xs.dtype))
    (h, c), ys = jax.lax.scan(step, init, xs)
    return ys, h, c


def setup_inputs(seed: int = 0):
    key = jax.random.key(seed)
    ks = jax.random.split(key, 12)
    path = jax.random.randint(ks[0], (B, L), 0, V)
    s = 1.0 / float(np.sqrt(H))
    inp = {"path": path}
    inp["emb"] = jax.random.normal(ks[1], (V, D), dtype=jnp.float32) * 0.02
    names = ["W_ih0", "W_hh0", "b_ih0", "b_hh0", "W_ih1", "W_hh1", "b_ih1", "b_hh1"]
    shapes = [(4 * H, D), (4 * H, H), (4 * H,), (4 * H,), (4 * H, H), (4 * H, H), (4 * H,), (4 * H,)]
    for i, (n, sh) in enumerate(zip(names, shapes)):
        inp[n] = jax.random.uniform(ks[2 + i], sh, dtype=jnp.float32, minval=-s, maxval=s)
    return inp


def reference(path, emb, W_ih0, W_hh0, b_ih0, b_hh0, W_ih1, W_hh1, b_ih1, b_hh1):
    # PathEmbedOri = embedding(path): [B, L, D]
    pe = jnp.take(emb, path, axis=0)
    # transpose(1, 0): [L, B, D]
    xs = jnp.transpose(pe, (1, 0, 2))
    # 2-layer LSTM, dropout inactive in eval mode
    ys0, h0, c0 = _lstm_layer(xs, W_ih0, W_hh0, b_ih0, b_hh0)
    ys1, h1, c1 = _lstm_layer(ys0, W_ih1, W_hh1, b_ih1, b_hh1)
    outputs = jnp.transpose(ys1, (1, 0, 2))  # [B, L, H]
    h_n = jnp.stack([h0, h1], axis=0)  # [2, B, H]
    c_n = jnp.stack([c0, c1], axis=0)  # [2, B, H]
    return outputs, (h_n, c_n), pe

if __name__ == "__main__":
    import jax
    _d = setup_inputs()
    print(jax.jit(kernel)(*tuple(_d.values())))

</pallas_src>

<mosaic_0001>
#map = affine_map<(d0, d1) -> (0, 0)>
#map1 = affine_map<(d0, d1) -> (0)>
module attributes {stable_mosaic.version = 14 : i64} {
  func.func @_gather_body(%arg0: i32, %arg1: i32, %arg2: memref<4316x768xf32, #tpu.memory_space<hbm>>, %arg3: memref<3328xi32, #tpu.memory_space<hbm>>, %arg4: memref<3328x768xf32, #tpu.memory_space<hbm>>, %arg5: memref<104xi32, #tpu.memory_space<vmem>>, %arg6: memref<104x768xf32, #tpu.memory_space<vmem>>, %arg7: memref<!tpu.dma_semaphore, #tpu.memory_space<semaphore_mem>>) attributes {dimension_semantics = [#tpu.dimension_semantics<core_parallel>, #tpu.dimension_semantics<subcore_parallel>], iteration_bounds = array<i64: 2, 16>, scalar_prefetch = 0 : i64, scratch_operands = 3 : i64, tpu.core_type = #tpu.core_type<sc_vector_subcore>, window_params = [{transform_indices = #map}, {transform_indices = #map1}, {transform_indices = #map}]} {
    %mul3A = arith.constant 2 : i32
    %mul3A_0 = arith.muli %arg1, %mul3A : i32
    %add3A = arith.addi %mul3A_0, %arg0 : i32
    %mul3A_1 = arith.constant 104 : i32
    %mul3A_2 = arith.muli %add3A, %mul3A_1 : i32
    "tpu.region"() ({
      %run_scoped3A = tpu.sem_alloc : memref<!tpu.dma_semaphore, #tpu.memory_space<semaphore_mem>>
      %dma_start3A_7 = tpu.memref_slice %arg3[%mul3A_2] : memref<3328xi32, #tpu.memory_space<hbm>> -> memref<104xi32, #tpu.memory_space<hbm>>
      %dma_start3A_8 = tpu.memref_slice %arg3[%mul3A_2] : memref<3328xi32, #tpu.memory_space<hbm>> -> memref<104xi32, #tpu.memory_space<hbm>>
      tpu.enqueue_dma source(%dma_start3A_8 : memref<104xi32, #tpu.memory_space<hbm>>) target(%arg5 : memref<104xi32, #tpu.memory_space<vmem>>) target_semaphore(%run_scoped3A : memref<!tpu.dma_semaphore, #tpu.memory_space<semaphore_mem>>)
      %dma_wait3A_9 = tpu.memref_slice %arg3[%mul3A_2] : memref<3328xi32, #tpu.memory_space<hbm>> -> memref<104xi32, #tpu.memory_space<hbm>>
      %dma_wait3A_10 = tpu.memref_slice %arg3[%mul3A_2] : memref<3328xi32, #tpu.memory_space<hbm>> -> memref<104xi32, #tpu.memory_space<hbm>>
      tpu.wait_dma2 semaphore(%run_scoped3A : memref<!tpu.dma_semaphore, #tpu.memory_space<semaphore_mem>>) src(%dma_wait3A_10 : memref<104xi32, #tpu.memory_space<hbm>>) dst(%arg5 : memref<104xi32, #tpu.memory_space<vmem>>)
      tpu.yield
    }) : () -> ()
    %dma_start3A = arith.constant 0 : i32
    %dma_start3A_3 = arith.constant 0 : i32
    %dma_start3A_4 = tpu.memref_slice %arg2[%dma_start3A, %dma_start3A_3] : memref<4316x768xf32, #tpu.memory_space<hbm>> -> memref<4316x768xf32, #tpu.memory_space<hbm>>
    tpu.enqueue_indirect_dma source(%dma_start3A_4 : memref<4316x768xf32, #tpu.memory_space<hbm>>) target(%arg6 : memref<104x768xf32, #tpu.memory_space<vmem>>) offsets(%arg5 : memref<104xi32, #tpu.memory_space<vmem>>) semaphore(%arg7 : memref<!tpu.dma_semaphore, #tpu.memory_space<semaphore_mem>>)
    %dma_wait3A = arith.constant 0 : i32
    %dma_wait3A_5 = arith.constant 0 : i32
    %dma_wait3A_6 = tpu.memref_slice %arg2[%dma_wait3A, %dma_wait3A_5] : memref<4316x768xf32, #tpu.memory_space<hbm>> -> memref<4316x768xf32, #tpu.memory_space<hbm>>
    tpu.wait_indirect_dma semaphore(%arg7 : memref<!tpu.dma_semaphore, #tpu.memory_space<semaphore_mem>>) src(%dma_wait3A_6 : memref<4316x768xf32, #tpu.memory_space<hbm>>) dst(%arg6 : memref<104x768xf32, #tpu.memory_space<vmem>>)
    "tpu.region"() ({
      %run_scoped3A = tpu.sem_alloc : memref<!tpu.dma_semaphore, #tpu.memory_space<semaphore_mem>>
      %dma_start3A_7 = arith.constant 0 : i32
      %dma_start3A_8 = tpu.memref_slice %arg4[%mul3A_2, %dma_start3A_7] : memref<3328x768xf32, #tpu.memory_space<hbm>> -> memref<104x768xf32, #tpu.memory_space<hbm>>
      %dma_start3A_9 = arith.constant 0 : i32
      %dma_start3A_10 = tpu.memref_slice %arg4[%mul3A_2, %dma_start3A_9] : memref<3328x768xf32, #tpu.memory_space<hbm>> -> memref<104x768xf32, #tpu.memory_space<hbm>>
      tpu.enqueue_dma source(%arg6 : memref<104x768xf32, #tpu.memory_space<vmem>>) target(%dma_start3A_10 : memref<104x768xf32, #tpu.memory_space<hbm>>) target_semaphore(%run_scoped3A : memref<!tpu.dma_semaphore, #tpu.memory_space<semaphore_mem>>)
      %dma_wait3A_11 = arith.constant 0 : i32
      %dma_wait3A_12 = tpu.memref_slice %arg4[%mul3A_2, %dma_wait3A_11] : memref<3328x768xf32, #tpu.memory_space<hbm>> -> memref<104x768xf32, #tpu.memory_space<hbm>>
      %dma_wait3A_13 = arith.constant 0 : i32
      %dma_wait3A_14 = tpu.memref_slice %arg4[%mul3A_2, %dma_wait3A_13] : memref<3328x768xf32, #tpu.memory_space<hbm>> -> memref<104x768xf32, #tpu.memory_space<hbm>>
      tpu.wait_dma2 semaphore(%run_scoped3A : memref<!tpu.dma_semaphore, #tpu.memory_space<semaphore_mem>>) src(%arg6 : memref<104x768xf32, #tpu.memory_space<vmem>>) dst(%dma_wait3A_14 : memref<104x768xf32, #tpu.memory_space<hbm>>)
      tpu.yield
    }) : () -> ()
    return
  }
}

module attributes {stable_mosaic.version = 14 : i64} {
  func.func @_lstm_body(%arg0: memref<3328x768xf32, #tpu.memory_space<any>>, %arg1: memref<3072x768xbf16, #tpu.memory_space<vmem>>, %arg2: memref<3072x768xbf16, #tpu.memory_space<vmem>>, %arg3: memref<1x3072xf32, #tpu.memory_space<vmem>>, %arg4: memref<3072x768xbf16, #tpu.memory_space<vmem>>, %arg5: memref<3072x768xbf16, #tpu.memory_space<vmem>>, %arg6: memref<1x3072xf32, #tpu.memory_space<vmem>>, %arg7: memref<64x50x768xf32, #tpu.memory_space<any>>, %arg8: memref<64x50x768xf32, #tpu.memory_space<any>>, %arg9: memref<2x64x768xf32, #tpu.memory_space<vmem>>, %arg10: memref<2x64x768xf32, #tpu.memory_space<vmem>>, %arg11: memref<320x768xf32, #tpu.memory_space<vmem>>, %arg12: memref<320x3072xf32, #tpu.memory_space<vmem>>, %arg13: memref<320x768xf32, #tpu.memory_space<vmem>>, %arg14: memref<320x768xf32, #tpu.memory_space<vmem>>, %arg15: memref<64x768xf32, #tpu.memory_space<vmem>>, %arg16: memref<64x768xf32, #tpu.memory_space<vmem>>, %arg17: memref<64x768xf32, #tpu.memory_space<vmem>>, %arg18: memref<64x768xf32, #tpu.memory_space<vmem>>, %arg19: memref<!tpu.dma_semaphore, #tpu.memory_space<semaphore_mem>>, %arg20: memref<!tpu.dma_semaphore, #tpu.memory_space<semaphore_mem>>, %arg21: memref<!tpu.dma_semaphore, #tpu.memory_space<semaphore_mem>>) attributes {dimension_semantics = [], scalar_prefetch = 0 : i64, scratch_operands = 11 : i64, tpu.core_type = #tpu.core_type<tc>} {
    %broadcast_in_dim3A = arith.constant 0.000000e+00 : f32
    %broadcast_in_dim3A_0 = vector.broadcast %broadcast_in_dim3A : f32 to vector<64x768xf32>
    %swap3A = arith.constant 0 : index
    %swap3A_1 = arith.constant 0 : index
    %swap3A_2 = vector.load %arg15[%swap3A, %swap3A_1] : memref<64x768xf32, #tpu.memory_space<vmem>>, vector<64x768xf32>
    tpu.vector_store %arg15[%swap3A, %swap3A_1], %broadcast_in_dim3A_0 {strides = array<i32>} : memref<64x768xf32, #tpu.memory_space<vmem>>, vector<64x768xf32>,
    %swap3A_3 = arith.constant 0 : index
    %swap3A_4 = arith.constant 0 : index
    %swap3A_5 = vector.load %arg16[%swap3A_3, %swap3A_4] : memref<64x768xf32, #tpu.memory_space<vmem>>, vector<64x768xf32>
    tpu.vector_store %arg16[%swap3A_3, %swap3A_4], %broadcast_in_dim3A_0 {strides = array<i32>} : memref<64x768xf32, #tpu.memory_space<vmem>>, vector<64x768xf32>,
    %swap3A_6 = arith.constant 0 : index
    %swap3A_7 = arith.constant 0 : index
    %swap3A_8 = vector.load %arg17[%swap3A_6, %swap3A_7] : memref<64x768xf32, #tpu.memory_space<vmem>>, vector<64x768xf32>
    tpu.vector_store %arg17[%swap3A_6, %swap3A_7], %broadcast_in_dim3A_0 {strides = array<i32>} : memref<64x768xf32, #tpu.memory_space<vmem>>, vector<64x768xf32>,
    %swap3A_9 = arith.constant 0 : index
    %swap3A_10 = arith.constant 0 : index
    %swap3A_11 = vector.load %arg18[%swap3A_9, %swap3A_10] : memref<64x768xf32, #tpu.memory_space<vmem>>, vector<64x768xf32>
    tpu.vector_store %arg18[%swap3A_9, %swap3A_10], %broadcast_in_dim3A_0 {strides = array<i32>} : memref<64x768xf32, #tpu.memory_space<vmem>>, vector<64x768xf32>,
    %scan3A = arith.constant 0 : i32
    %scan3A_12 = arith.constant 10 : i32
    %scan3A_13 = arith.addi %scan3A, %scan3A_12 : i32
    %scan3A_14 = arith.constant 1 : i32
    scf.for %scan3A_51 = %scan3A to %scan3A_13 step %scan3A_14  : i32 {
      %mul3A = arith.constant 5 : i32
      %mul3A_52 = arith.muli %scan3A_51, %mul3A : i32
      %mul3A_53 = arith.constant 320 : i32
      %mul3A_54 = arith.muli %scan3A_51, %mul3A_53 : i32
      %dma_start3A = arith.constant 0 : i32
      %dma_start3A_55 = tpu.memref_slice %arg0[%mul3A_54, %dma_start3A] : memref<3328x768xf32, #tpu.memory_space<any>> -> memref<320x768xf32, #tpu.memory_space<any>>
      tpu.enqueue_dma source(%dma_start3A_55 : memref<320x768xf32, #tpu.memory_space<any>>) target(%arg11 : memref<320x768xf32, #tpu.memory_space<vmem>>) target_semaphore(%arg19 : memref<!tpu.dma_semaphore, #tpu.memory_space<semaphore_mem>>)
      %dma_wait3A = arith.constant 0 : i32
      %dma_wait3A_56 = tpu.memref_slice %arg0[%mul3A_54, %dma_wait3A] : memref<3328x768xf32, #tpu.memory_space<any>> -> memref<320x768xf32, #tpu.memory_space<any>>
      tpu.wait_dma2 semaphore(%arg19 : memref<!tpu.dma_semaphore, #tpu.memory_space<semaphore_mem>>) src(%dma_wait3A_56 : memref<320x768xf32, #tpu.memory_space<any>>) dst(%arg11 : memref<320x768xf32, #tpu.memory_space<vmem>>)
      %add3A = arith.constant 0 : i32
      %add3A_57 = arith.addi %mul3A_52, %add3A : i32
      %dma_start3A_58 = arith.constant 0 : i32
      %dma_start3A_59 = arith.constant 0 : i32
      %dma_start3A_60 = tpu.memref_slice %arg8[%dma_start3A_58, %add3A_57, %dma_start3A_59] : memref<64x50x768xf32, #tpu.memory_space<any>> -> memref<64x1x768xf32, #tpu.memory_space<any>>
      %dma_start3A_61 = tpu.memref_squeeze %dma_start3A_60 : memref<64x1x768xf32, #tpu.memory_space<any>> -> memref<64x768xf32, #tpu.memory_space<any>>
      %dma_start3A_62 = arith.constant 0 : i32
      %dma_start3A_63 = arith.constant 0 : i32
      %dma_start3A_64 = tpu.memref_slice %arg11[%dma_start3A_62, %dma_start3A_63] : memref<320x768xf32, #tpu.memory_space<vmem>> -> memref<64x768xf32, #tpu.memory_space<vmem>>
      tpu.enqueue_dma source(%dma_start3A_64 : memref<64x768xf32, #tpu.memory_space<vmem>>) target(%dma_start3A_61 : memref<64x768xf32, #tpu.memory_space<any>>) target_semaphore(%arg21 : memref<!tpu.dma_semaphore, #tpu.memory_space<semaphore_mem>>)
      %add3A_65 = arith.constant 1 : i32
      %add3A_66 = arith.addi %mul3A_52, %add3A_65 : i32
      %dma_start3A_67 = arith.constant 0 : i32
      %dma_start3A_68 = arith.constant 0 : i32
      %dma_start3A_69 = tpu.memref_slice %arg8[%dma_start3A_67, %add3A_66, %dma_start3A_68] : memref<64x50x768xf32, #tpu.memory_space<any>> -> memref<64x1x768xf32, #tpu.memory_space<any>>
      %dma_start3A_70 = tpu.memref_squeeze %dma_start3A_69 : memref<64x1x768xf32, #tpu.memory_space<any>> -> memref<64x768xf32, #tpu.memory_space<any>>
      %dma_start3A_71 = arith.constant 64 : i32
      %dma_start3A_72 = arith.constant 0 : i32
      %dma_start3A_73 = tpu.memref_slice %arg11[%dma_start3A_71, %dma_start3A_72] : memref<320x768xf32, #tpu.memory_space<vmem>> -> memref<64x768xf32, #tpu.memory_space<vmem>>
      tpu.enqueue_dma source(%dma_start3A_73 : memref<64x768xf32, #tpu.memory_space<vmem>>) target(%dma_start3A_70 : memref<64x768xf32, #tpu.memory_space<any>>) target_semaphore(%arg21 : memref<!tpu.dma_semaphore, #tpu.memory_space<semaphore_mem>>)
      %add3A_74 = arith.constant 2 : i32
      %add3A_75 = arith.addi %mul3A_52, %add3A_74 : i32
      %dma_start3A_76 = arith.constant 0 : i32
      %dma_start3A_77 = arith.constant 0 : i32
      %dma_start3A_78 = tpu.memref_slice %arg8[%dma_start3A_76, %add3A_75, %dma_start3A_77] : memref<64x50x768xf32, #tpu.memory_space<any>> -> memref<64x1x768xf32, #tpu.memory_space<any>>
      %dma_start3A_79 = tpu.memref_squeeze %dma_start3A_78 : memref<64x1x768xf32, #tpu.memory_space<any>> -> memref<64x768xf32, #tpu.memory_space<any>>
      %dma_start3A_80 = arith.constant 128 : i32
      %dma_start3A_81 = arith.constant 0 : i32
      %dma_start3A_82 = tpu.memref_slice %arg11[%dma_start3A_80, %dma_start3A_81] : memref<320x768xf32, #tpu.memory_space<vmem>> -> memref<64x768xf32, #tpu.memory_space<vmem>>
      tpu.enqueue_dma source(%dma_start3A_82 : memref<64x768xf32, #tpu.memory_space<vmem>>) target(%dma_start3A_79 : memref<64x768xf32, #tpu.memory_space<any>>) target_semaphore(%arg21 : memref<!tpu.dma_semaphore, #tpu.memory_space<semaphore_mem>>)
      %add3A_83 = arith.constant 3 : i32
      %add3A_84 = arith.addi %mul3A_52, %add3A_83 : i32
      %dma_start3A_85 = arith.constant 0 : i32
      %dma_start3A_86 = arith.constant 0 : i32
      %dma_start3A_87 = tpu.memref_slice %arg8[%dma_start3A_85, %add3A_84, %dma_start3A_86] : memref<64x50x768xf32, #tpu.memory_space<any>> -> memref<64x1x768xf32, #tpu.memory_space<any>>
      %dma_start3A_88 = tpu.memref_squeeze %dma_start3A_87 : memref<64x1x768xf32, #tpu.memory_space<any>> -> memref<64x768xf32, #tpu.memory_space<any>>
      %dma_start3A_89 = arith.constant 192 : i32
      %dma_start3A_90 = arith.constant 0 : i32
      %dma_start3A_91 = tpu.memref_slice %arg11[%dma_start3A_89, %dma_start3A_90] : memref<320x768xf32, #tpu.memory_space<vmem>> -> memref<64x768xf32, #tpu.memory_space<vmem>>
      tpu.enqueue_dma source(%dma_start3A_91 : memref<64x768xf32, #tpu.memory_space<vmem>>) target(%dma_start3A_88 : memref<64x768xf32, #tpu.memory_space<any>>) target_semaphore(%arg21 : memref<!tpu.dma_semaphore, #tpu.memory_space<semaphore_mem>>)
      %add3A_92 = arith.constant 4 : i32
      %add3A_93 = arith.addi %mul3A_52, %add3A_92 : i32
      %dma_start3A_94 = arith.constant 0 : i32
      %dma_start3A_95 = arith.constant 0 : i32
      %dma_start3A_96 = tpu.memref_slice %arg8[%dma_start3A_94, %add3A_93, %dma_start3A_95] : memref<64x50x768xf32, #tpu.memory_space<any>> -> memref<64x1x768xf32, #tpu.memory_space<any>>
      %dma_start3A_97 = tpu.memref_squeeze %dma_start3A_96 : memref<64x1x768xf32, #tpu.memory_space<any>> -> memref<64x768xf32, #tpu.memory_space<any>>
      %dma_start3A_98 = arith.constant 256 : i32
      %dma_start3A_99 = arith.constant 0 : i32
      %dma_start3A_100 = tpu.memref_slice %arg11[%dma_start3A_98, %dma_start3A_99] : memref<320x768xf32, #tpu.memory_space<vmem>> -> memref<64x768xf32, #tpu.memory_space<vmem>>
      tpu.enqueue_dma source(%dma_start3A_100 : memref<64x768xf32, #tpu.memory_space<vmem>>) target(%dma_start3A_97 : memref<64x768xf32, #tpu.memory_space<any>>) target_semaphore(%arg21 : memref<!tpu.dma_semaphore, #tpu.memory_space<semaphore_mem>>)
      %get3A_101 = arith.constant 0 : index
      %get3A_102 = arith.constant 0 : index
      %get3A_103 = vector.load %arg11[%get3A_101, %get3A_102] : memref<320x768xf32, #tpu.memory_space<vmem>>, vector<320x768xf32>
      %convert_element_type3A = arith.truncf %get3A_103 : vector<320x768xf32> to vector<320x768xbf16>
      %get3A_104 = arith.constant 0 : index
      %get3A_105 = arith.constant 0 : index
      %get3A_106 = vector.load %arg1[%get3A_104, %get3A_105] : memref<3072x768xbf16, #tpu.memory_space<vmem>>, vector<3072x768xbf16>
      %dot_general3A = arith.constant dense<0.000000e+00> : vector<320x3072xf32>
      %dot_general3A_107 = tpu.matmul %convert_element_type3A, %get3A_106, %dot_general3A {dimension_numbers = #tpu.dot_dimension_numbers<[1], [1], [0], [0], [0, 0, 1, 0], [], []>, transpose_lhs_hint = false} : vector<320x768xbf16>, vector<3072x768xbf16>, vector<320x3072xf32> -> vector<320x3072xf32>
      %get3A_108 = arith.constant 0 : index
      %get3A_109 = arith.constant 0 : index
      %get3A_110 = vector.load %arg3[%get3A_108, %get3A_109] : memref<1x3072xf32, #tpu.memory_space<vmem>>, vector<1x3072xf32>
      %add3A_111 = vector.broadcast %get3A_110 : vector<1x3072xf32> to vector<320x3072xf32>
      %add3A_112 = arith.addf %dot_general3A_107, %add3A_111 : vector<320x3072xf32>
      %swap3A_113 = arith.constant 0 : index
      %swap3A_114 = arith.constant 0 : index
      %swap3A_115 = vector.load %arg12[%swap3A_113, %swap3A_114] : memref<320x3072xf32, #tpu.memory_space<vmem>>, vector<320x3072xf32>
      tpu.vector_store %arg12[%swap3A_113, %swap3A_114], %add3A_112 {strides = array<i32>} : memref<320x3072xf32, #tpu.memory_space<vmem>>, vector<320x3072xf32>,
      %scan3A_116 = arith.constant 0 : i32
      %scan3A_117 = arith.constant 5 : i32
      %scan3A_118 = arith.addi %scan3A_116, %scan3A_117 : i32
      %scan3A_119 = arith.constant 1 : i32
      scf.for %scan3A_515 = %scan3A_116 to %scan3A_118 step %scan3A_119  : i32 {
        %mul3A_516 = arith.constant 64 : i32
        %mul3A_517 = arith.muli %scan3A_515, %mul3A_516 : i32
        %get3A_518 = arith.index_cast %mul3A_517 : i32 to index
        %get3A_519 = arith.constant 0 : index
        %get3A_520 = vector.load %arg12[%get3A_518, %get3A_519] : memref<320x3072xf32, #tpu.memory_space<vmem>>, vector<64x3072xf32>
        %get3A_521 = arith.constant 0 : index
        %get3A_522 = arith.constant 0 : index
        %get3A_523 = vector.load %arg15[%get3A_521, %get3A_522] : memref<64x768xf32, #tpu.memory_space<vmem>>, vector<64x768xf32>
        %convert_element_type3A_524 = arith.truncf %get3A_523 : vector<64x768xf32> to vector<64x768xbf16>
        %get3A_525 = arith.constant 0 : index
        %get3A_526 = arith.constant 0 : index
        %get3A_527 = vector.load %arg2[%get3A_525, %get3A_526] : memref<3072x768xbf16, #tpu.memory_space<vmem>>, vector<3072x768xbf16>
        %dot_general3A_528 = arith.constant dense<0.000000e+00> : vector<64x3072xf32>
        %dot_general3A_529 = tpu.matmul %convert_element_type3A_524, %get3A_527, %dot_general3A_528 {dimension_numbers = #tpu.dot_dimension_numbers<[1], [1], [0], [0], [0, 0, 1, 0], [], []>, transpose_lhs_hint = false} : vector<64x768xbf16>, vector<3072x768xbf16>, vector<64x3072xf32> -> vector<64x3072xf32>
        %add3A_530 = arith.addf %get3A_520, %dot_general3A_529 : vector<64x3072xf32>
        %slice3A_531 = vector.extract_strided_slice %add3A_530 {offsets = [0, 0], sizes = [64, 768], strides = [1, 1]} : vector<64x3072xf32> to vector<64x768xf32>
        %logistic3A_532 = arith.negf %slice3A_531 : vector<64x768xf32>
        %logistic3A_533 = math.exp %logistic3A_532 : vector<64x768xf32>
        %logistic3A_534 = arith.constant 1.000000e+00 : f32
        %logistic3A_535 = vector.broadcast %logistic3A_534 : f32 to vector<64x768xf32>
        %logistic3A_536 = arith.addf %logistic3A_535, %logistic3A_533 : vector<64x768xf32>
        %logistic3A_537 = arith.divf %logistic3A_535, %logistic3A_536 : vector<64x768xf32>
        %slice3A_538 = vector.extract_strided_slice %add3A_530 {offsets = [0, 768], sizes = [64, 768], strides = [1, 1]} : vector<64x3072xf32> to vector<64x768xf32>
        %logistic3A_539 = arith.negf %slice3A_538 : vector<64x768xf32>
        %logistic3A_540 = math.exp %logistic3A_539 : vector<64x768xf32>
        %logistic3A_541 = arith.constant 1.000000e+00 : f32
        %logistic3A_542 = vector.broadcast %logistic3A_541 : f32 to vector<64x768xf32>
        %logistic3A_543 = arith.addf %logistic3A_542, %logistic3A_540 : vector<64x768xf32>
        %logistic3A_544 = arith.divf %logistic3A_542, %logistic3A_543 : vector<64x768xf32>
        %slice3A_545 = vector.extract_strided_slice %add3A_530 {offsets = [0, 1536], sizes = [64, 768], strides = [1, 1]} : vector<64x3072xf32> to vector<64x768xf32>
        %tanh3A_546 = math.tanh %slice3A_545 : vector<64x768xf32>
        %slice3A_547 = vector.extract_strided_slice %add3A_530 {offsets = [0, 2304], sizes = [64, 768], strides = [1, 1]} : vector<64x3072xf32> to vector<64x768xf32>
        %logistic3A_548 = arith.negf %slice3A_547 : vector<64x768xf32>
        %logistic3A_549 = math.exp %logistic3A_548 : vector<64x768xf32>
        %logistic3A_550 = arith.constant 1.000000e+00 : f32
        %logistic3A_551 = vector.broadcast %logistic3A_550 : f32 to vector<64x768xf32>
        %logistic3A_552 = arith.addf %logistic3A_551, %logistic3A_549 : vector<64x768xf32>
        %logistic3A_553 = arith.divf %logistic3A_551, %logistic3A_552 : vector<64x768xf32>
        %get3A_554 = arith.constant 0 : index
        %get3A_555 = arith.constant 0 : index
        %get3A_556 = vector.load %arg16[%get3A_554, %get3A_555] : memref<64x768xf32, #tpu.memory_space<vmem>>, vector<64x768xf32>
        %mul3A_557 = arith.mulf %logistic3A_544, %get3A_556 : vector<64x768xf32>
        %mul3A_558 = arith.mulf %logistic3A_537, %tanh3A_546 : vector<64x768xf32>
        %add3A_559 = arith.addf %mul3A_557, %mul3A_558 : vector<64x768xf32>
        %swap3A_560 = arith.constant 0 : index
        %swap3A_561 = arith.constant 0 : index
        %swap3A_562 = vector.load %arg16[%swap3A_560, %swap3A_561] : memref<64x768xf32, #tpu.memory_space<vmem>>, vector<64x768xf32>
        tpu.vector_store %arg16[%swap3A_560, %swap3A_561], %add3A_559 {strides = array<i32>} : memref<64x768xf32, #tpu.memory_space<vmem>>, vector<64x768xf32>,
        %tanh3A_563 = math.tanh %add3A_559 : vector<64x768xf32>
        %mul3A_564 = arith.mulf %logistic3A_553, %tanh3A_563 : vector<64x768xf32>
        %swap3A_565 = arith.constant 0 : index
        %swap3A_566 = arith.constant 0 : index
        %swap3A_567 = vector.load %arg15[%swap3A_565, %swap3A_566] : memref<64x768xf32, #tpu.memory_space<vmem>>, vector<64x768xf32>
        tpu.vector_store %arg15[%swap3A_565, %swap3A_566], %mul3A_564 {strides = array<i32>} : memref<64x768xf32, #tpu.memory_space<vmem>>, vector<64x768xf32>,
        %mul3A_568 = arith.constant 64 : i32
        %mul3A_569 = arith.muli %scan3A_515, %mul3A_568 : i32
        %swap3A_570 = arith.index_cast %mul3A_569 : i32 to index
        %swap3A_571 = arith.constant 0 : index
        %swap3A_572 = vector.load %arg13[%swap3A_570, %swap3A_571] : memref<320x768xf32, #tpu.memory_space<vmem>>, vector<64x768xf32>
        tpu.vector_store %arg13[%swap3A_570, %swap3A_571], %mul3A_564 {strides = array<i32>} : memref<320x768xf32, #tpu.memory_space<vmem>>, vector<64x768xf32>,
      }
      %scan3A_120 = arith.constant 5 : i32
      %get3A_121 = arith.constant 0 : index
      %get3A_122 = arith.constant 0 : index
      %get3A_123 = vector.load %arg13[%get3A_121, %get3A_122] : memref<320x768xf32, #tpu.memory_space<vmem>>, vector<320x768xf32>
      %convert_element_type3A_124 = arith.truncf %get3A_123 : vector<320x768xf32> to vector<320x768xbf16>
      %get3A_125 = arith.constant 0 : index
      %get3A_126 = arith.constant 0 : index
      %get3A_127 = vector.load %arg4[%get3A_125, %get3A_126] : memref<3072x768xbf16, #tpu.memory_space<vmem>>, vector<3072x768xbf16>
      %dot_general3A_128 = arith.constant dense<0.000000e+00> : vector<320x3072xf32>
      %dot_general3A_129 = tpu.matmul %convert_element_type3A_124, %get3A_127, %dot_general3A_128 {dimension_numbers = #tpu.dot_dimension_numbers<[1], [1], [0], [0], [0, 0, 1, 0], [], []>, transpose_lhs_hint = false} : vector<320x768xbf16>, vector<3072x768xbf16>, vector<320x3072xf32> -> vector<320x3072xf32>
      %get3A_130 = arith.constant 0 : index
      %get3A_131 = arith.constant 0 : index
      %get3A_132 = vector.load %arg6[%get3A_130, %get3A_131] : memref<1x3072xf32, #tpu.memory_space<vmem>>, vector<1x3072xf32>
      %add3A_133 = vector.broadcast %get3A_132 : vector<1x3072xf32> to vector<320x3072xf32>
      %add3A_134 = arith.addf %dot_general3A_129, %add3A_133 : vector<320x3072xf32>
      %swap3A_135 = arith.constant 0 : index
      %swap3A_136 = arith.constant 0 : index
      %swap3A_137 = vector.load %arg12[%swap3A_135, %swap3A_136] : memref<320x3072xf32, #tpu.memory_space<vmem>>, vector<320x3072xf32>
      tpu.vector_store %arg12[%swap3A_135, %swap3A_136], %add3A_134 {strides = array<i32>} : memref<320x3072xf32, #tpu.memory_space<vmem>>, vector<320x3072xf32>,
      %get3A_138 = arith.constant 0 : index
      %get3A_139 = arith.constant 0 : index
      %get3A_140 = vector.load %arg12[%get3A_138, %get3A_139] : memref<320x3072xf32, #tpu.memory_space<vmem>>, vector<64x3072xf32>
      %get3A_141 = arith.constant 0 : index
      %get3A_142 = arith.constant 0 : index
      %get3A_143 = vector.load %arg17[%get3A_141, %get3A_142] : memref<64x768xf32, #tpu.memory_space<vmem>>, vector<64x768xf32>
      %convert_element_type3A_144 = arith.truncf %get3A_143 : vector<64x768xf32> to vector<64x768xbf16>
      %get3A_145 = arith.constant 0 : index
      %get3A_146 = arith.constant 0 : index
      %get3A_147 = vector.load %arg5[%get3A_145, %get3A_146] : memref<3072x768xbf16, #tpu.memory_space<vmem>>, vector<3072x768xbf16>
      %dot_general3A_148 = arith.constant dense<0.000000e+00> : vector<64x3072xf32>
      %dot_general3A_149 = tpu.matmul %convert_element_type3A_144, %get3A_147, %dot_general3A_148 {dimension_numbers = #tpu.dot_dimension_numbers<[1], [1], [0], [0], [0, 0, 1, 0], [], []>, transpose_lhs_hint = false} : vector<64x768xbf16>, vector<3072x768xbf16>, vector<64x3072xf32> -> vector<64x3072xf32>
      %add3A_150 = arith.addf %get3A_140, %dot_general3A_149 : vector<64x3072xf32>
      %slice3A = vector.extract_strided_slice %add3A_150 {offsets = [0, 0], sizes = [64, 768], strides = [1, 1]} : vector<64x3072xf32> to vector<64x768xf32>
      %logistic3A = arith.negf %slice3A : vector<64x768xf32>
      %logistic3A_151 = math.exp %logistic3A : vector<64x768xf32>
      %logistic3A_152 = arith.constant 1.000000e+00 : f32
      %logistic3A_153 = vector.broadcast %logistic3A_152 : f32 to vector<64x768xf32>
      %logistic3A_154 = arith.addf %logistic3A_153, %logistic3A_151 : vector<64x768xf32>
      %logistic3A_155 = arith.divf %logistic3A_153, %logistic3A_154 : vector<64x768xf32>
      %slice3A_156 = vector.extract_strided_slice %add3A_150 {offsets = [0, 768], sizes = [64, 768], strides = [1, 1]} : vector<64x3072xf32> to vector<64x768xf32>
      %logistic3A_157 = arith.negf %slice3A_156 : vector<64x768xf32>
      %logistic3A_158 = math.exp %logistic3A_157 : vector<64x768xf32>
      %logistic3A_159 = arith.constant 1.000000e+00 : f32
      %logistic3A_160 = vector.broadcast %logistic3A_159 : f32 to vector<64x768xf32>
      %logistic3A_161 = arith.addf %logistic3A_160, %logistic3A_158 : vector<64x768xf32>
      %logistic3A_162 = arith.divf %logistic3A_160, %logistic3A_161 : vector<64x768xf32>
      %slice3A_163 = vector.extract_strided_slice %add3A_150 {offsets = [0, 1536], sizes = [64, 768], strides = [1, 1]} : vector<64x3072xf32> to vector<64x768xf32>
      %tanh3A = math.tanh %slice3A_163 : vector<64x768xf32>
      %slice3A_164 = vector.extract_strided_slice %add3A_150 {offsets = [0, 2304], sizes = [64, 768], strides = [1, 1]} : vector<64x3072xf32> to vector<64x768xf32>
      %logistic3A_165 = arith.negf %slice3A_164 : vector<64x768xf32>
      %logistic3A_166 = math.exp %logistic3A_165 : vector<64x768xf32>
      %logistic3A_167 = arith.constant 1.000000e+00 : f32
      %logistic3A_168 = vector.broadcast %logistic3A_167 : f32 to vector<64x768xf32>
      %logistic3A_169 = arith.addf %logistic3A_168, %logistic3A_166 : vector<64x768xf32>
      %logistic3A_170 = arith.divf %logistic3A_168, %logistic3A_169 : vector<64x768xf32>
      %get3A_171 = arith.constant 0 : index
      %get3A_172 = arith.constant 0 : index
      %get3A_173 = vector.load %arg18[%get3A_171, %get3A_172] : memref<64x768xf32, #tpu.memory_space<vmem>>, vector<64x768xf32>
      %mul3A_174 = arith.mulf %logistic3A_162, %get3A_173 : vector<64x768xf32>
      %mul3A_175 = arith.mulf %logistic3A_155, %tanh3A : vector<64x768xf32>
      %add3A_176 = arith.addf %mul3A_174, %mul3A_175 : vector<64x768xf32>
      %swap3A_177 = arith.constant 0 : index
      %swap3A_178 = arith.constant 0 : index
      %swap3A_179 = vector.load %arg18[%swap3A_177, %swap3A_178] : memref<64x768xf32, #tpu.memory_space<vmem>>, vector<64x768xf32>
      tpu.vector_store %arg18[%swap3A_177, %swap3A_178], %add3A_176 {strides = array<i32>} : memref<64x768xf32, #tpu.memory_space<vmem>>, vector<64x768xf32>,
      %tanh3A_180 = math.tanh %add3A_176 : vector<64x768xf32>
      %mul3A_181 = arith.mulf %logistic3A_170, %tanh3A_180 : vector<64x768xf32>
      %swap3A_182 = arith.constant 0 : index
      %swap3A_183 = arith.constant 0 : index
      %swap3A_184 = vector.load %arg17[%swap3A_182, %swap3A_183] : memref<64x768xf32, #tpu.memory_space<vmem>>, vector<64x768xf32>
      tpu.vector_store %arg17[%swap3A_182, %swap3A_183], %mul3A_181 {strides = array<i32>} : memref<64x768xf32, #tpu.memory_space<vmem>>, vector<64x768xf32>,
      %swap3A_185 = arith.constant 0 : index
      %swap3A_186 = arith.constant 0 : index
      %swap3A_187 = vector.load %arg14[%swap3A_185, %swap3A_186] : memref<320x768xf32, #tpu.memory_space<vmem>>, vector<64x768xf32>
      tpu.vector_store %arg14[%swap3A_185, %swap3A_186], %mul3A_181 {strides = array<i32>} : memref<320x768xf32, #tpu.memory_space<vmem>>, vector<64x768xf32>,
      %add3A_188 = arith.constant 0 : i32
      %add3A_189 = arith.addi %mul3A_52, %add3A_188 : i32
      %dma_start3A_190 = arith.constant 0 : i32
      %dma_start3A_191 = arith.constant 0 : i32
      %dma_start3A_192 = tpu.memref_slice %arg7[%dma_start3A_190, %add3A_189, %dma_start3A_191] : memref<64x50x768xf32, #tpu.memory_space<any>> -> memref<64x1x768xf32, #tpu.memory_space<any>>
      %dma_start3A_193 = tpu.memref_squeeze %dma_start3A_192 : memref<64x1x768xf32, #tpu.memory_space<any>> -> memref<64x768xf32, #tpu.memory_space<any>>
      %dma_start3A_194 = arith.constant 0 : i32
      %dma_start3A_195 = arith.constant 0 : i32
      %dma_start3A_196 = tpu.memref_slice %arg14[%dma_start3A_194, %dma_start3A_195] : memref<320x768xf32, #tpu.memory_space<vmem>> -> memref<64x768xf32, #tpu.memory_space<vmem>>
      tpu.enqueue_dma source(%dma_start3A_196 : memref<64x768xf32, #tpu.memory_space<vmem>>) target(%dma_start3A_193 : memref<64x768xf32, #tpu.memory_space<any>>) target_semaphore(%arg20 : memref<!tpu.dma_semaphore, #tpu.memory_space<semaphore_mem>>)
      %get3A_197 = arith.constant 64 : index
      %get3A_198 = arith.constant 0 : index
      %get3A_199 = vector.load %arg12[%get3A_197, %get3A_198] : memref<320x3072xf32, #tpu.memory_space<vmem>>, vector<64x3072xf32>
      %get3A_200 = arith.constant 0 : index
      %get3A_201 = arith.constant 0 : index
      %get3A_202 = vector.load %arg17[%get3A_200, %get3A_201] : memref<64x768xf32, #tpu.memory_space<vmem>>, vector<64x768xf32>
      %convert_element_type3A_203 = arith.truncf %get3A_202 : vector<64x768xf32> to vector<64x768xbf16>
      %get3A_204 = arith.constant 0 : index
      %get3A_205 = arith.constant 0 : index
      %get3A_206 = vector.load %arg5[%get3A_204, %get3A_205] : memref<3072x768xbf16, #tpu.memory_space<vmem>>, vector<3072x768xbf16>
      %dot_general3A_207 = arith.constant dense<0.000000e+00> : vector<64x3072xf32>
      %dot_general3A_208 = tpu.matmul %convert_element_type3A_203, %get3A_206, %dot_general3A_207 {dimension_numbers = #tpu.dot_dimension_numbers<[1], [1], [0], [0], [0, 0, 1, 0], [], []>, transpose_lhs_hint = false} : vector<64x768xbf16>, vector<3072x768xbf16>, vector<64x3072xf32> -> vector<64x3072xf32>
      %add3A_209 = arith.addf %get3A_199, %dot_general3A_208 : vector<64x3072xf32>
      %slice3A_210 = vector.extract_strided_slice %add3A_209 {offsets = [0, 0], sizes = [64, 768], strides = [1, 1]} : vector<64x3072xf32> to vector<64x768xf32>
      %logistic3A_211 = arith.negf %slice3A_210 : vector<64x768xf32>
      %logistic3A_212 = math.exp %logistic3A_211 : vector<64x768xf32>
      %logistic3A_213 = arith.constant 1.000000e+00 : f32
      %logistic3A_214 = vector.broadcast %logistic3A_213 : f32 to vector<64x768xf32>
      %logistic3A_215 = arith.addf %logistic3A_214, %logistic3A_212 : vector<64x768xf32>
      %logistic3A_216 = arith.divf %logistic3A_214, %logistic3A_215 : vector<64x768xf32>
      %slice3A_217 = vector.extract_strided_slice %add3A_209 {offsets = [0, 768], sizes = [64, 768], strides = [1, 1]} : vector<64x3072xf32> to vector<64x768xf32>
      %logistic3A_218 = arith.negf %slice3A_217 : vector<64x768xf32>
      %logistic3A_219 = math.exp %logistic3A_218 : vector<64x768xf32>
      %logistic3A_220 = arith.constant 1.000000e+00 : f32
      %logistic3A_221 = vector.broadcast %logistic3A_220 : f32 to vector<64x768xf32>
      %logistic3A_222 = arith.addf %logistic3A_221, %logistic3A_219 : vector<64x768xf32>
      %logistic3A_223 = arith.divf %logistic3A_221, %logistic3A_222 : vector<64x768xf32>
      %slice3A_224 = vector.extract_strided_slice %add3A_209 {offsets = [0, 1536], sizes = [64, 768], strides = [1, 1]} : vector<64x3072xf32> to vector<64x768xf32>
      %tanh3A_225 = math.tanh %slice3A_224 : vector<64x768xf32>
      %slice3A_226 = vector.extract_strided_slice %add3A_209 {offsets = [0, 2304], sizes = [64, 768], strides = [1, 1]} : vector<64x3072xf32> to vector<64x768xf32>
      %logistic3A_227 = arith.negf %slice3A_226 : vector<64x768xf32>
      %logistic3A_228 = math.exp %logistic3A_227 : vector<64x768xf32>
      %logistic3A_229 = arith.constant 1.000000e+00 : f32
      %logistic3A_230 = vector.broadcast %logistic3A_229 : f32 to vector<64x768xf32>
      %logistic3A_231 = arith.addf %logistic3A_230, %logistic3A_228 : vector<64x768xf32>
      %logistic3A_232 = arith.divf %logistic3A_230, %logistic3A_231 : vector<64x768xf32>
      %get3A_233 = arith.constant 0 : index
      %get3A_234 = arith.constant 0 : index
      %get3A_235 = vector.load %arg18[%get3A_233, %get3A_234] : memref<64x768xf32, #tpu.memory_space<vmem>>, vector<64x768xf32>
      %mul3A_236 = arith.mulf %logistic3A_223, %get3A_235 : vector<64x768xf32>
      %mul3A_237 = arith.mulf %logistic3A_216, %tanh3A_225 : vector<64x768xf32>
      %add3A_238 = arith.addf %mul3A_236, %mul3A_237 : vector<64x768xf32>
      %swap3A_239 = arith.constant 0 : index
      %swap3A_240 = arith.constant 0 : index
      %swap3A_241 = vector.load %arg18[%swap3A_239, %swap3A_240] : memref<64x768xf32, #tpu.memory_space<vmem>>, vector<64x768xf32>
      tpu.vector_store %arg18[%swap3A_239, %swap3A_240], %add3A_238 {strides = array<i32>} : memref<64x768xf32, #tpu.memory_space<vmem>>, vector<64x768xf32>,
      %tanh3A_242 = math.tanh %add3A_238 : vector<64x768xf32>
      %mul3A_243 = arith.mulf %logistic3A_232, %tanh3A_242 : vector<64x768xf32>
      %swap3A_244 = arith.constant 0 : index
      %swap3A_245 = arith.constant 0 : index
      %swap3A_246 = vector.load %arg17[%swap3A_244, %swap3A_245] : memref<64x768xf32, #tpu.memory_space<vmem>>, vector<64x768xf32>
      tpu.vector_store %arg17[%swap3A_244, %swap3A_245], %mul3A_243 {strides = array<i32>} : memref<64x768xf32, #tpu.memory_space<vmem>>, vector<64x768xf32>,
      %swap3A_247 = arith.constant 64 : index
      %swap3A_248 = arith.constant 0 : index
      %swap3A_249 = vector.load %arg14[%swap3A_247, %swap3A_248] : memref<320x768xf32, #tpu.memory_space<vmem>>, vector<64x768xf32>
      tpu.vector_store %arg14[%swap3A_247, %swap3A_248], %mul3A_243 {strides = array<i32>} : memref<320x768xf32, #tpu.memory_space<vmem>>, vector<64x768xf32>,
      %add3A_250 = arith.constant 1 : i32
      %add3A_251 = arith.addi %mul3A_52, %add3A_250 : i32
      %dma_start3A_252 = arith.constant 0 : i32
      %dma_start3A_253 = arith.constant 0 : i32
      %dma_start3A_254 = tpu.memref_slice %arg7[%dma_start3A_252, %add3A_251, %dma_start3A_253] : memref<64x50x768xf32, #tpu.memory_space<any>> -> memref<64x1x768xf32, #tpu.memory_space<any>>
      %dma_start3A_255 = tpu.memref_squeeze %dma_start3A_254 : memref<64x1x768xf32, #tpu.memory_space<any>> -> memref<64x768xf32, #tpu.memory_space<any>>
      %dma_start3A_256 = arith.constant 64 : i32
      %dma_start3A_257 = arith.constant 0 : i32
      %dma_start3A_258 = tpu.memref_slice %arg14[%dma_start3A_256, %dma_start3A_257] : memref<320x768xf32, #tpu.memory_space<vmem>> -> memref<64x768xf32, #tpu.memory_space<vmem>>
      tpu.enqueue_dma source(%dma_start3A_258 : memref<64x768xf32, #tpu.memory_space<vmem>>) target(%dma_start3A_255 : memref<64x768xf32, #tpu.memory_space<any>>) target_semaphore(%arg20 : memref<!tpu.dma_semaphore, #tpu.memory_space<semaphore_mem>>)
      %get3A_259 = arith.constant 128 : index
      %get3A_260 = arith.constant 0 : index
      %get3A_261 = vector.load %arg12[%get3A_259, %get3A_260] : memref<320x3072xf32, #tpu.memory_space<vmem>>, vector<64x3072xf32>
      %get3A_262 = arith.constant 0 : index
      %get3A_263 = arith.constant 0 : index
      %get3A_264 = vector.load %arg17[%get3A_262, %get3A_263] : memref<64x768xf32, #tpu.memory_space<vmem>>, vector<64x768xf32>
      %convert_element_type3A_265 = arith.truncf %get3A_264 : vector<64x768xf32> to vector<64x768xbf16>
      %get3A_266 = arith.constant 0 : index
      %get3A_267 = arith.constant 0 : index
      %get3A_268 = vector.load %arg5[%get3A_266, %get3A_267] : memref<3072x768xbf16, #tpu.memory_space<vmem>>, vector<3072x768xbf16>
      %dot_general3A_269 = arith.constant dense<0.000000e+00> : vector<64x3072xf32>
      %dot_general3A_270 = tpu.matmul %convert_element_type3A_265, %get3A_268, %dot_general3A_269 {dimension_numbers = #tpu.dot_dimension_numbers<[1], [1], [0], [0], [0, 0, 1, 0], [], []>, transpose_lhs_hint = false} : vector<64x768xbf16>, vector<3072x768xbf16>, vector<64x3072xf32> -> vector<64x3072xf32>
      %add3A_271 = arith.addf %get3A_261, %dot_general3A_270 : vector<64x3072xf32>
      %slice3A_272 = vector.extract_strided_slice %add3A_271 {offsets = [0, 0], sizes = [64, 768], strides = [1, 1]} : vector<64x3072xf32> to vector<64x768xf32>
      %logistic3A_273 = arith.negf %slice3A_272 : vector<64x768xf32>
      %logistic3A_274 = math.exp %logistic3A_273 : vector<64x768xf32>
      %logistic3A_275 = arith.constant 1.000000e+00 : f32
      %logistic3A_276 = vector.broadcast %logistic3A_275 : f32 to vector<64x768xf32>
      %logistic3A_277 = arith.addf %logistic3A_276, %logistic3A_274 : vector<64x768xf32>
      %logistic3A_278 = arith.divf %logistic3A_276, %logistic3A_277 : vector<64x768xf32>
      %slice3A_279 = vector.extract_strided_slice %add3A_271 {offsets = [0, 768], sizes = [64, 768], strides = [1, 1]} : vector<64x3072xf32> to vector<64x768xf32>
      %logistic3A_280 = arith.negf %slice3A_279 : vector<64x768xf32>
      %logistic3A_281 = math.exp %logistic3A_280 : vector<64x768xf32>
      %logistic3A_282 = arith.constant 1.000000e+00 : f32
      %logistic3A_283 = vector.broadcast %logistic3A_282 : f32 to vector<64x768xf32>
      %logistic3A_284 = arith.addf %logistic3A_283, %logistic3A_281 : vector<64x768xf32>
      %logistic3A_285 = arith.divf %logistic3A_283, %logistic3A_284 : vector<64x768xf32>
      %slice3A_286 = vector.extract_strided_slice %add3A_271 {offsets = [0, 1536], sizes = [64, 768], strides = [1, 1]} : vector<64x3072xf32> to vector<64x768xf32>
      %tanh3A_287 = math.tanh %slice3A_286 : vector<64x768xf32>
      %slice3A_288 = vector.extract_strided_slice %add3A_271 {offsets = [0, 2304], sizes = [64, 768], strides = [1, 1]} : vector<64x3072xf32> to vector<64x768xf32>
      %logistic3A_289 = arith.negf %slice3A_288 : vector<64x768xf32>
      %logistic3A_290 = math.exp %logistic3A_289 : vector<64x768xf32>
      %logistic3A_291 = arith.constant 1.000000e+00 : f32
      %logistic3A_292 = vector.broadcast %logistic3A_291 : f32 to vector<64x768xf32>
      %logistic3A_293 = arith.addf %logistic3A_292, %logistic3A_290 : vector<64x768xf32>
      %logistic3A_294 = arith.divf %logistic3A_292, %logistic3A_293 : vector<64x768xf32>
      %get3A_295 = arith.constant 0 : index
      %get3A_296 = arith.constant 0 : index
      %get3A_297 = vector.load %arg18[%get3A_295, %get3A_296] : memref<64x768xf32, #tpu.memory_space<vmem>>, vector<64x768xf32>
      %mul3A_298 = arith.mulf %logistic3A_285, %get3A_297 : vector<64x768xf32>
      %mul3A_299 = arith.mulf %logistic3A_278, %tanh3A_287 : vector<64x768xf32>
      %add3A_300 = arith.addf %mul3A_298, %mul3A_299 : vector<64x768xf32>
      %swap3A_301 = arith.constant 0 : index
      %swap3A_302 = arith.constant 0 : index
      %swap3A_303 = vector.load %arg18[%swap3A_301, %swap3A_302] : memref<64x768xf32, #tpu.memory_space<vmem>>, vector<64x768xf32>
      tpu.vector_store %arg18[%swap3A_301, %swap3A_302], %add3A_300 {strides = array<i32>} : memref<64x768xf32, #tpu.memory_space<vmem>>, vector<64x768xf32>,
      %tanh3A_304 = math.tanh %add3A_300 : vector<64x768xf32>
      %mul3A_305 = arith.mulf %logistic3A_294, %tanh3A_304 : vector<64x768xf32>
      %swap3A_306 = arith.constant 0 : index
      %swap3A_307 = arith.constant 0 : index
      %swap3A_308 = vector.load %arg17[%swap3A_306, %swap3A_307] : memref<64x768xf32, #tpu.memory_space<vmem>>, vector<64x768xf32>
      tpu.vector_store %arg17[%swap3A_306, %swap3A_307], %mul3A_305 {strides = array<i32>} : memref<64x768xf32, #tpu.memory_space<vmem>>, vector<64x768xf32>,
      %swap3A_309 = arith.constant 128 : index
      %swap3A_310 = arith.constant 0 : index
      %swap3A_311 = vector.load %arg14[%swap3A_309, %swap3A_310] : memref<320x768xf32, #tpu.memory_space<vmem>>, vector<64x768xf32>
      tpu.vector_store %arg14[%swap3A_309, %swap3A_310], %mul3A_305 {strides = array<i32>} : memref<320x768xf32, #tpu.memory_space<vmem>>, vector<64x768xf32>,
      %add3A_312 = arith.constant 2 : i32
      %add3A_313 = arith.addi %mul3A_52, %add3A_312 : i32
      %dma_start3A_314 = arith.constant 0 : i32
      %dma_start3A_315 = arith.constant 0 : i32
      %dma_start3A_316 = tpu.memref_slice %arg7[%dma_start3A_314, %add3A_313, %dma_start3A_315] : memref<64x50x768xf32, #tpu.memory_space<any>> -> memref<64x1x768xf32, #tpu.memory_space<any>>
      %dma_start3A_317 = tpu.memref_squeeze %dma_start3A_316 : memref<64x1x768xf32, #tpu.memory_space<any>> -> memref<64x768xf32, #tpu.memory_space<any>>
      %dma_start3A_318 = arith.constant 128 : i32
      %dma_start3A_319 = arith.constant 0 : i32
      %dma_start3A_320 = tpu.memref_slice %arg14[%dma_start3A_318, %dma_start3A_319] : memref<320x768xf32, #tpu.memory_space<vmem>> -> memref<64x768xf32, #tpu.memory_space<vmem>>
      tpu.enqueue_dma source(%dma_start3A_320 : memref<64x768xf32, #tpu.memory_space<vmem>>) target(%dma_start3A_317 : memref<64x768xf32, #tpu.memory_space<any>>) target_semaphore(%arg20 : memref<!tpu.dma_semaphore, #tpu.memory_space<semaphore_mem>>)
      %get3A_321 = arith.constant 192 : index
      %get3A_322 = arith.constant 0 : index
      %get3A_323 = vector.load %arg12[%get3A_321, %get3A_322] : memref<320x3072xf32, #tpu.memory_space<vmem>>, vector<64x3072xf32>
      %get3A_324 = arith.constant 0 : index
      %get3A_325 = arith.constant 0 : index
      %get3A_326 = vector.load %arg17[%get3A_324, %get3A_325] : memref<64x768xf32, #tpu.memory_space<vmem>>, vector<64x768xf32>
      %convert_element_type3A_327 = arith.truncf %get3A_326 : vector<64x768xf32> to vector<64x768xbf16>
      %get3A_328 = arith.constant 0 : index
      %get3A_329 = arith.constant 0 : index
      %get3A_330 = vector.load %arg5[%get3A_328, %get3A_329] : memref<3072x768xbf16, #tpu.memory_space<vmem>>, vector<3072x768xbf16>
      %dot_general3A_331 = arith.constant dense<0.000000e+00> : vector<64x3072xf32>
      %dot_general3A_332 = tpu.matmul %convert_element_type3A_327, %get3A_330, %dot_general3A_331 {dimension_numbers = #tpu.dot_dimension_numbers<[1], [1], [0], [0], [0, 0, 1, 0], [], []>, transpose_lhs_hint = false} : vector<64x768xbf16>, vector<3072x768xbf16>, vector<64x3072xf32> -> vector<64x3072xf32>
      %add3A_333 = arith.addf %get3A_323, %dot_general3A_332 : vector<64x3072xf32>
      %slice3A_334 = vector.extract_strided_slice %add3A_333 {offsets = [0, 0], sizes = [64, 768], strides = [1, 1]} : vector<64x3072xf32> to vector<64x768xf32>
      %logistic3A_335 = arith.negf %slice3A_334 : vector<64x768xf32>
      %logistic3A_336 = math.exp %logistic3A_335 : vector<64x768xf32>
      %logistic3A_337 = arith.constant 1.000000e+00 : f32
      %logistic3A_338 = vector.broadcast %logistic3A_337 : f32 to vector<64x768xf32>
      %logistic3A_339 = arith.addf %logistic3A_338, %logistic3A_336 : vector<64x768xf32>
      %logistic3A_340 = arith.divf %logistic3A_338, %logistic3A_339 : vector<64x768xf32>
      %slice3A_341 = vector.extract_strided_slice %add3A_333 {offsets = [0, 768], sizes = [64, 768], strides = [1, 1]} : vector<64x3072xf32> to vector<64x768xf32>
      %logistic3A_342 = arith.negf %slice3A_341 : vector<64x768xf32>
      %logistic3A_343 = math.exp %logistic3A_342 : vector<64x768xf32>
      %logistic3A_344 = arith.constant 1.000000e+00 : f32
      %logistic3A_345 = vector.broadcast %logistic3A_344 : f32 to vector<64x768xf32>
      %logistic3A_346 = arith.addf %logistic3A_345, %logistic3A_343 : vector<64x768xf32>
      %logistic3A_347 = arith.divf %logistic3A_345, %logistic3A_346 : vector<64x768xf32>
      %slice3A_348 = vector.extract_strided_slice %add3A_333 {offsets = [0, 1536], sizes = [64, 768], strides = [1, 1]} : vector<64x3072xf32> to vector<64x768xf32>
      %tanh3A_349 = math.tanh %slice3A_348 : vector<64x768xf32>
      %slice3A_350 = vector.extract_strided_slice %add3A_333 {offsets = [0, 2304], sizes = [64, 768], strides = [1, 1]} : vector<64x3072xf32> to vector<64x768xf32>
      %logistic3A_351 = arith.negf %slice3A_350 : vector<64x768xf32>
      %logistic3A_352 = math.exp %logistic3A_351 : vector<64x768xf32>
      %logistic3A_353 = arith.constant 1.000000e+00 : f32
      %logistic3A_354 = vector.broadcast %logistic3A_353 : f32 to vector<64x768xf32>
      %logistic3A_355 = arith.addf %logistic3A_354, %logistic3A_352 : vector<64x768xf32>
      %logistic3A_356 = arith.divf %logistic3A_354, %logistic3A_355 : vector<64x768xf32>
      %get3A_357 = arith.constant 0 : index
      %get3A_358 = arith.constant 0 : index
      %get3A_359 = vector.load %arg18[%get3A_357, %get3A_358] : memref<64x768xf32, #tpu.memory_space<vmem>>, vector<64x768xf32>
      %mul3A_360 = arith.mulf %logistic3A_347, %get3A_359 : vector<64x768xf32>
      %mul3A_361 = arith.mulf %logistic3A_340, %tanh3A_349 : vector<64x768xf32>
      %add3A_362 = arith.addf %mul3A_360, %mul3A_361 : vector<64x768xf32>
      %swap3A_363 = arith.constant 0 : index
      %swap3A_364 = arith.constant 0 : index
      %swap3A_365 = vector.load %arg18[%swap3A_363, %swap3A_364] : memref<64x768xf32, #tpu.memory_space<vmem>>, vector<64x768xf32>
      tpu.vector_store %arg18[%swap3A_363, %swap3A_364], %add3A_362 {strides = array<i32>} : memref<64x768xf32, #tpu.memory_space<vmem>>, vector<64x768xf32>,
      %tanh3A_366 = math.tanh %add3A_362 : vector<64x768xf32>
      %mul3A_367 = arith.mulf %logistic3A_356, %tanh3A_366 : vector<64x768xf32>
      %swap3A_368 = arith.constant 0 : index
      %swap3A_369 = arith.constant 0 : index
      %swap3A_370 = vector.load %arg17[%swap3A_368, %swap3A_369] : memref<64x768xf32, #tpu.memory_space<vmem>>, vector<64x768xf32>
      tpu.vector_store %arg17[%swap3A_368, %swap3A_369], %mul3A_367 {strides = array<i32>} : memref<64x768xf32, #tpu.memory_space<vmem>>, vector<64x768xf32>,
      %swap3A_371 = arith.constant 192 : index
      %swap3A_372 = arith.constant 0 : index
      %swap3A_373 = vector.load %arg14[%swap3A_371, %swap3A_372] : memref<320x768xf32, #tpu.memory_space<vmem>>, vector<64x768xf32>
      tpu.vector_store %arg14[%swap3A_371, %swap3A_372], %mul3A_367 {strides = array<i32>} : memref<320x768xf32, #tpu.memory_space<vmem>>, vector<64x768xf32>,
      %add3A_374 = arith.constant 3 : i32
      %add3A_375 = arith.addi %mul3A_52, %add3A_374 : i32
      %dma_start3A_376 = arith.constant 0 : i32
      %dma_start3A_377 = arith.constant 0 : i32
      %dma_start3A_378 = tpu.memref_slice %arg7[%dma_start3A_376, %add3A_375, %dma_start3A_377] : memref<64x50x768xf32, #tpu.memory_space<any>> -> memref<64x1x768xf32, #tpu.memory_space<any>>
      %dma_start3A_379 = tpu.memref_squeeze %dma_start3A_378 : memref<64x1x768xf32, #tpu.memory_space<any>> -> memref<64x768xf32, #tpu.memory_space<any>>
      %dma_start3A_380 = arith.constant 192 : i32
      %dma_start3A_381 = arith.constant 0 : i32
      %dma_start3A_382 = tpu.memref_slice %arg14[%dma_start3A_380, %dma_start3A_381] : memref<320x768xf32, #tpu.memory_space<vmem>> -> memref<64x768xf32, #tpu.memory_space<vmem>>
      tpu.enqueue_dma source(%dma_start3A_382 : memref<64x768xf32, #tpu.memory_space<vmem>>) target(%dma_start3A_379 : memref<64x768xf32, #tpu.memory_space<any>>) target_semaphore(%arg20 : memref<!tpu.dma_semaphore, #tpu.memory_space<semaphore_mem>>)
      %get3A_383 = arith.constant 256 : index
      %get3A_384 = arith.constant 0 : index
      %get3A_385 = vector.load %arg12[%get3A_383, %get3A_384] : memref<320x3072xf32, #tpu.memory_space<vmem>>, vector<64x3072xf32>
      %get3A_386 = arith.constant 0 : index
      %get3A_387 = arith.constant 0 : index
      %get3A_388 = vector.load %arg17[%get3A_386, %get3A_387] : memref<64x768xf32, #tpu.memory_space<vmem>>, vector<64x768xf32>
      %convert_element_type3A_389 = arith.truncf %get3A_388 : vector<64x768xf32> to vector<64x768xbf16>
      %get3A_390 = arith.constant 0 : index
      %get3A_391 = arith.constant 0 : index
      %get3A_392 = vector.load %arg5[%get3A_390, %get3A_391] : memref<3072x768xbf16, #tpu.memory_space<vmem>>, vector<3072x768xbf16>
      %dot_general3A_393 = arith.constant dense<0.000000e+00> : vector<64x3072xf32>
      %dot_general3A_394 = tpu.matmul %convert_element_type3A_389, %get3A_392, %dot_general3A_393 {dimension_numbers = #tpu.dot_dimension_numbers<[1], [1], [0], [0], [0, 0, 1, 0], [], []>, transpose_lhs_hint = false} : vector<64x768xbf16>, vector<3072x768xbf16>, vector<64x3072xf32> -> vector<64x3072xf32>
      %add3A_395 = arith.addf %get3A_385, %dot_general3A_394 : vector<64x3072xf32>
      %slice3A_396 = vector.extract_strided_slice %add3A_395 {offsets = [0, 0], sizes = [64, 768], strides = [1, 1]} : vector<64x3072xf32> to vector<64x768xf32>
      %logistic3A_397 = arith.negf %slice3A_396 : vector<64x768xf32>
      %logistic3A_398 = math.exp %logistic3A_397 : vector<64x768xf32>
      %logistic3A_399 = arith.constant 1.000000e+00 : f32
      %logistic3A_400 = vector.broadcast %logistic3A_399 : f32 to vector<64x768xf32>
      %logistic3A_401 = arith.addf %logistic3A_400, %logistic3A_398 : vector<64x768xf32>
      %logistic3A_402 = arith.divf %logistic3A_400, %logistic3A_401 : vector<64x768xf32>
      %slice3A_403 = vector.extract_strided_slice %add3A_395 {offsets = [0, 768], sizes = [64, 768], strides = [1, 1]} : vector<64x3072xf32> to vector<64x768xf32>
      %logistic3A_404 = arith.negf %slice3A_403 : vector<64x768xf32>
      %logistic3A_405 = math.exp %logistic3A_404 : vector<64x768xf32>
      %logistic3A_406 = arith.constant 1.000000e+00 : f32
      %logistic3A_407 = vector.broadcast %logistic3A_406 : f32 to vector<64x768xf32>
      %logistic3A_408 = arith.addf %logistic3A_407, %logistic3A_405 : vector<64x768xf32>
      %logistic3A_409 = arith.divf %logistic3A_407, %logistic3A_408 : vector<64x768xf32>
      %slice3A_410 = vector.extract_strided_slice %add3A_395 {offsets = [0, 1536], sizes = [64, 768], strides = [1, 1]} : vector<64x3072xf32> to vector<64x768xf32>
      %tanh3A_411 = math.tanh %slice3A_410 : vector<64x768xf32>
      %slice3A_412 = vector.extract_strided_slice %add3A_395 {offsets = [0, 2304], sizes = [64, 768], strides = [1, 1]} : vector<64x3072xf32> to vector<64x768xf32>
      %logistic3A_413 = arith.negf %slice3A_412 : vector<64x768xf32>
      %logistic3A_414 = math.exp %logistic3A_413 : vector<64x768xf32>
      %logistic3A_415 = arith.constant 1.000000e+00 : f32
      %logistic3A_416 = vector.broadcast %logistic3A_415 : f32 to vector<64x768xf32>
      %logistic3A_417 = arith.addf %logistic3A_416, %logistic3A_414 : vector<64x768xf32>
      %logistic3A_418 = arith.divf %logistic3A_416, %logistic3A_417 : vector<64x768xf32>
      %get3A_419 = arith.constant 0 : index
      %get3A_420 = arith.constant 0 : index
      %get3A_421 = vector.load %arg18[%get3A_419, %get3A_420] : memref<64x768xf32, #tpu.memory_space<vmem>>, vector<64x768xf32>
      %mul3A_422 = arith.mulf %logistic3A_409, %get3A_421 : vector<64x768xf32>
      %mul3A_423 = arith.mulf %logistic3A_402, %tanh3A_411 : vector<64x768xf32>
      %add3A_424 = arith.addf %mul3A_422, %mul3A_423 : vector<64x768xf32>
      %swap3A_425 = arith.constant 0 : index
      %swap3A_426 = arith.constant 0 : index
      %swap3A_427 = vector.load %arg18[%swap3A_425, %swap3A_426] : memref<64x768xf32, #tpu.memory_space<vmem>>, vector<64x768xf32>
      tpu.vector_store %arg18[%swap3A_425, %swap3A_426], %add3A_424 {strides = array<i32>} : memref<64x768xf32, #tpu.memory_space<vmem>>, vector<64x768xf32>,
      %tanh3A_428 = math.tanh %add3A_424 : vector<64x768xf32>
      %mul3A_429 = arith.mulf %logistic3A_418, %tanh3A_428 : vector<64x768xf32>
      %swap3A_430 = arith.constant 0 : index
      %swap3A_431 = arith.constant 0 : index
      %swap3A_432 = vector.load %arg17[%swap3A_430, %swap3A_431] : memref<64x768xf32, #tpu.memory_space<vmem>>, vector<64x768xf32>
      tpu.vector_store %arg17[%swap3A_430, %swap3A_431], %mul3A_429 {strides = array<i32>} : memref<64x768xf32, #tpu.memory_space<vmem>>, vector<64x768xf32>,
      %swap3A_433 = arith.constant 256 : index
      %swap3A_434 = arith.constant 0 : index
      %swap3A_435 = vector.load %arg14[%swap3A_433, %swap3A_434] : memref<320x768xf32, #tpu.memory_space<vmem>>, vector<64x768xf32>
      tpu.vector_store %arg14[%swap3A_433, %swap3A_434], %mul3A_429 {strides = array<i32>} : memref<320x768xf32, #tpu.memory_space<vmem>>, vector<64x768xf32>,
      %add3A_436 = arith.constant 4 : i32
      %add3A_437 = arith.addi %mul3A_52, %add3A_436 : i32
      %dma_start3A_438 = arith.constant 0 : i32
      %dma_start3A_439 = arith.constant 0 : i32
      %dma_start3A_440 = tpu.memref_slice %arg7[%dma_start3A_438, %add3A_437, %dma_start3A_439] : memref<64x50x768xf32, #tpu.memory_space<any>> -> memref<64x1x768xf32, #tpu.memory_space<any>>
      %dma_start3A_441 = tpu.memref_squeeze %dma_start3A_440 : memref<64x1x768xf32, #tpu.memory_space<any>> -> memref<64x768xf32, #tpu.memory_space<any>>
      %dma_start3A_442 = arith.constant 256 : i32
      %dma_start3A_443 = arith.constant 0 : i32
      %dma_start3A_444 = tpu.memref_slice %arg14[%dma_start3A_442, %dma_start3A_443] : memref<320x768xf32, #tpu.memory_space<vmem>> -> memref<64x768xf32, #tpu.memory_space<vmem>>
      tpu.enqueue_dma source(%dma_start3A_444 : memref<64x768xf32, #tpu.memory_space<vmem>>) target(%dma_start3A_441 : memref<64x768xf32, #tpu.memory_space<any>>) target_semaphore(%arg20 : memref<!tpu.dma_semaphore, #tpu.memory_space<semaphore_mem>>)
      %dma_wait3A_445 = arith.constant 0 : i32
      %dma_wait3A_446 = arith.constant 0 : i32
      %dma_wait3A_447 = tpu.memref_slice %arg8[%dma_wait3A_445, %add3A_57, %dma_wait3A_446] : memref<64x50x768xf32, #tpu.memory_space<any>> -> memref<64x1x768xf32, #tpu.memory_space<any>>
      %dma_wait3A_448 = tpu.memref_squeeze %dma_wait3A_447 : memref<64x1x768xf32, #tpu.memory_space<any>> -> memref<64x768xf32, #tpu.memory_space<any>>
      %dma_wait3A_449 = arith.constant 0 : i32
      %dma_wait3A_450 = arith.constant 0 : i32
      %dma_wait3A_451 = tpu.memref_slice %arg11[%dma_wait3A_449, %dma_wait3A_450] : memref<320x768xf32, #tpu.memory_space<vmem>> -> memref<64x768xf32, #tpu.memory_space<vmem>>
      tpu.wait_dma2 semaphore(%arg21 : memref<!tpu.dma_semaphore, #tpu.memory_space<semaphore_mem>>) src(%dma_wait3A_451 : memref<64x768xf32, #tpu.memory_space<vmem>>) dst(%dma_wait3A_448 : memref<64x768xf32, #tpu.memory_space<any>>)
      %dma_wait3A_452 = arith.constant 0 : i32
      %dma_wait3A_453 = arith.constant 0 : i32
      %dma_wait3A_454 = tpu.memref_slice %arg8[%dma_wait3A_452, %add3A_66, %dma_wait3A_453] : memref<64x50x768xf32, #tpu.memory_space<any>> -> memref<64x1x768xf32, #tpu.memory_space<any>>
      %dma_wait3A_455 = tpu.memref_squeeze %dma_wait3A_454 : memref<64x1x768xf32, #tpu.memory_space<any>> -> memref<64x768xf32, #tpu.memory_space<any>>
      %dma_wait3A_456 = arith.constant 64 : i32
      %dma_wait3A_457 = arith.constant 0 : i32
      %dma_wait3A_458 = tpu.memref_slice %arg11[%dma_wait3A_456, %dma_wait3A_457] : memref<320x768xf32, #tpu.memory_space<vmem>> -> memref<64x768xf32, #tpu.memory_space<vmem>>
      tpu.wait_dma2 semaphore(%arg21 : memref<!tpu.dma_semaphore, #tpu.memory_space<semaphore_mem>>) src(%dma_wait3A_458 : memref<64x768xf32, #tpu.memory_space<vmem>>) dst(%dma_wait3A_455 : memref<64x768xf32, #tpu.memory_space<any>>)
      %dma_wait3A_459 = arith.constant 0 : i32
      %dma_wait3A_460 = arith.constant 0 : i32
      %dma_wait3A_461 = tpu.memref_slice %arg8[%dma_wait3A_459, %add3A_75, %dma_wait3A_460] : memref<64x50x768xf32, #tpu.memory_space<any>> -> memref<64x1x768xf32, #tpu.memory_space<any>>
      %dma_wait3A_462 = tpu.memref_squeeze %dma_wait3A_461 : memref<64x1x768xf32, #tpu.memory_space<any>> -> memref<64x768xf32, #tpu.memory_space<any>>
      %dma_wait3A_463 = arith.constant 128 : i32
      %dma_wait3A_464 = arith.constant 0 : i32
      %dma_wait3A_465 = tpu.memref_slice %arg11[%dma_wait3A_463, %dma_wait3A_464] : memref<320x768xf32, #tpu.memory_space<vmem>> -> memref<64x768xf32, #tpu.memory_space<vmem>>
      tpu.wait_dma2 semaphore(%arg21 : memref<!tpu.dma_semaphore, #tpu.memory_space<semaphore_mem>>) src(%dma_wait3A_465 : memref<64x768xf32, #tpu.memory_space<vmem>>) dst(%dma_wait3A_462 : memref<64x768xf32, #tpu.memory_space<any>>)
      %dma_wait3A_466 = arith.constant 0 : i32
      %dma_wait3A_467 = arith.constant 0 : i32
      %dma_wait3A_468 = tpu.memref_slice %arg8[%dma_wait3A_466, %add3A_84, %dma_wait3A_467] : memref<64x50x768xf32, #tpu.memory_space<any>> -> memref<64x1x768xf32, #tpu.memory_space<any>>
      %dma_wait3A_469 = tpu.memref_squeeze %dma_wait3A_468 : memref<64x1x768xf32, #tpu.memory_space<any>> -> memref<64x768xf32, #tpu.memory_space<any>>
      %dma_wait3A_470 = arith.constant 192 : i32
      %dma_wait3A_471 = arith.constant 0 : i32
      %dma_wait3A_472 = tpu.memref_slice %arg11[%dma_wait3A_470, %dma_wait3A_471] : memref<320x768xf32, #tpu.memory_space<vmem>> -> memref<64x768xf32, #tpu.memory_space<vmem>>
      tpu.wait_dma2 semaphore(%arg21 : memref<!tpu.dma_semaphore, #tpu.memory_space<semaphore_mem>>) src(%dma_wait3A_472 : memref<64x768xf32, #tpu.memory_space<vmem>>) dst(%dma_wait3A_469 : memref<64x768xf32, #tpu.memory_space<any>>)
      %dma_wait3A_473 = arith.constant 0 : i32
      %dma_wait3A_474 = arith.constant 0 : i32
      %dma_wait3A_475 = tpu.memref_slice %arg8[%dma_wait3A_473, %add3A_93, %dma_wait3A_474] : memref<64x50x768xf32, #tpu.memory_space<any>> -> memref<64x1x768xf32, #tpu.memory_space<any>>
      %dma_wait3A_476 = tpu.memref_squeeze %dma_wait3A_475 : memref<64x1x768xf32, #tpu.memory_space<any>> -> memref<64x768xf32, #tpu.memory_space<any>>
      %dma_wait3A_477 = arith.constant 256 : i32
      %dma_wait3A_478 = arith.constant 0 : i32
      %dma_wait3A_479 = tpu.memref_slice %arg11[%dma_wait3A_477, %dma_wait3A_478] : memref<320x768xf32, #tpu.memory_space<vmem>> -> memref<64x768xf32, #tpu.memory_space<vmem>>
      tpu.wait_dma2 semaphore(%arg21 : memref<!tpu.dma_semaphore, #tpu.memory_space<semaphore_mem>>) src(%dma_wait3A_479 : memref<64x768xf32, #tpu.memory_space<vmem>>) dst(%dma_wait3A_476 : memref<64x768xf32, #tpu.memory_space<any>>)
      %dma_wait3A_480 = arith.constant 0 : i32
      %dma_wait3A_481 = arith.constant 0 : i32
      %dma_wait3A_482 = tpu.memref_slice %arg7[%dma_wait3A_480, %add3A_189, %dma_wait3A_481] : memref<64x50x768xf32, #tpu.memory_space<any>> -> memref<64x1x768xf32, #tpu.memory_space<any>>
      %dma_wait3A_483 = tpu.memref_squeeze %dma_wait3A_482 : memref<64x1x768xf32, #tpu.memory_space<any>> -> memref<64x768xf32, #tpu.memory_space<any>>
      %dma_wait3A_484 = arith.constant 0 : i32
      %dma_wait3A_485 = arith.constant 0 : i32
      %dma_wait3A_486 = tpu.memref_slice %arg14[%dma_wait3A_484, %dma_wait3A_485] : memref<320x768xf32, #tpu.memory_space<vmem>> -> memref<64x768xf32, #tpu.memory_space<vmem>>
      tpu.wait_dma2 semaphore(%arg20 : memref<!tpu.dma_semaphore, #tpu.memory_space<semaphore_mem>>) src(%dma_wait3A_486 : memref<64x768xf32, #tpu.memory_space<vmem>>) dst(%dma_wait3A_483 : memref<64x768xf32, #tpu.memory_space<any>>)
      %dma_wait3A_487 = arith.constant 0 : i32
      %dma_wait3A_488 = arith.constant 0 : i32
      %dma_wait3A_489 = tpu.memref_slice %arg7[%dma_wait3A_487, %add3A_251, %dma_wait3A_488] : memref<64x50x768xf32, #tpu.memory_space<any>> -> memref<64x1x768xf32, #tpu.memory_space<any>>
      %dma_wait3A_490 = tpu.memref_squeeze %dma_wait3A_489 : memref<64x1x768xf32, #tpu.memory_space<any>> -> memref<64x768xf32, #tpu.memory_space<any>>
      %dma_wait3A_491 = arith.constant 64 : i32
      %dma_wait3A_492 = arith.constant 0 : i32
      %dma_wait3A_493 = tpu.memref_slice %arg14[%dma_wait3A_491, %dma_wait3A_492] : memref<320x768xf32, #tpu.memory_space<vmem>> -> memref<64x768xf32, #tpu.memory_space<vmem>>
      tpu.wait_dma2 semaphore(%arg20 : memref<!tpu.dma_semaphore, #tpu.memory_space<semaphore_mem>>) src(%dma_wait3A_493 : memref<64x768xf32, #tpu.memory_space<vmem>>) dst(%dma_wait3A_490 : memref<64x768xf32, #tpu.memory_space<any>>)
      %dma_wait3A_494 = arith.constant 0 : i32
      %dma_wait3A_495 = arith.constant 0 : i32
      %dma_wait3A_496 = tpu.memref_slice %arg7[%dma_wait3A_494, %add3A_313, %dma_wait3A_495] : memref<64x50x768xf32, #tpu.memory_space<any>> -> memref<64x1x768xf32, #tpu.memory_space<any>>
      %dma_wait3A_497 = tpu.memref_squeeze %dma_wait3A_496 : memref<64x1x768xf32, #tpu.memory_space<any>> -> memref<64x768xf32, #tpu.memory_space<any>>
      %dma_wait3A_498 = arith.constant 128 : i32
      %dma_wait3A_499 = arith.constant 0 : i32
      %dma_wait3A_500 = tpu.memref_slice %arg14[%dma_wait3A_498, %dma_wait3A_499] : memref<320x768xf32, #tpu.memory_space<vmem>> -> memref<64x768xf32, #tpu.memory_space<vmem>>
      tpu.wait_dma2 semaphore(%arg20 : memref<!tpu.dma_semaphore, #tpu.memory_space<semaphore_mem>>) src(%dma_wait3A_500 : memref<64x768xf32, #tpu.memory_space<vmem>>) dst(%dma_wait3A_497 : memref<64x768xf32, #tpu.memory_space<any>>)
      %dma_wait3A_501 = arith.constant 0 : i32
      %dma_wait3A_502 = arith.constant 0 : i32
      %dma_wait3A_503 = tpu.memref_slice %arg7[%dma_wait3A_501, %add3A_375, %dma_wait3A_502] : memref<64x50x768xf32, #tpu.memory_space<any>> -> memref<64x1x768xf32, #tpu.memory_space<any>>
      %dma_wait3A_504 = tpu.memref_squeeze %dma_wait3A_503 : memref<64x1x768xf32, #tpu.memory_space<any>> -> memref<64x768xf32, #tpu.memory_space<any>>
      %dma_wait3A_505 = arith.constant 192 : i32
      %dma_wait3A_506 = arith.constant 0 : i32
      %dma_wait3A_507 = tpu.memref_slice %arg14[%dma_wait3A_505, %dma_wait3A_506] : memref<320x768xf32, #tpu.memory_space<vmem>> -> memref<64x768xf32, #tpu.memory_space<vmem>>
      tpu.wait_dma2 semaphore(%arg20 : memref<!tpu.dma_semaphore, #tpu.memory_space<semaphore_mem>>) src(%dma_wait3A_507 : memref<64x768xf32, #tpu.memory_space<vmem>>) dst(%dma_wait3A_504 : memref<64x768xf32, #tpu.memory_space<any>>)
      %dma_wait3A_508 = arith.constant 0 : i32
      %dma_wait3A_509 = arith.constant 0 : i32
      %dma_wait3A_510 = tpu.memref_slice %arg7[%dma_wait3A_508, %add3A_437, %dma_wait3A_509] : memref<64x50x768xf32, #tpu.memory_space<any>> -> memref<64x1x768xf32, #tpu.memory_space<any>>
      %dma_wait3A_511 = tpu.memref_squeeze %dma_wait3A_510 : memref<64x1x768xf32, #tpu.memory_space<any>> -> memref<64x768xf32, #tpu.memory_space<any>>
      %dma_wait3A_512 = arith.constant 256 : i32
      %dma_wait3A_513 = arith.constant 0 : i32
      %dma_wait3A_514 = tpu.memref_slice %arg14[%dma_wait3A_512, %dma_wait3A_513] : memref<320x768xf32, #tpu.memory_space<vmem>> -> memref<64x768xf32, #tpu.memory_space<vmem>>
      tpu.wait_dma2 semaphore(%arg20 : memref<!tpu.dma_semaphore, #tpu.memory_space<semaphore_mem>>) src(%dma_wait3A_514 : memref<64x768xf32, #tpu.memory_space<vmem>>) dst(%dma_wait3A_511 : memref<64x768xf32, #tpu.memory_space<any>>)
    }
    %scan3A_15 = arith.constant 10 : i32
    %get3A = arith.constant 0 : index
    %get3A_16 = arith.constant 0 : index
    %get3A_17 = vector.load %arg15[%get3A, %get3A_16] : memref<64x768xf32, #tpu.memory_space<vmem>>, vector<64x768xf32>
    %swap3A_18 = arith.constant 0 : index
    %swap3A_19 = arith.constant 0 : index
    %swap3A_20 = arith.constant 0 : index
    %swap3A_21 = vector.load %arg9[%swap3A_18, %swap3A_19, %swap3A_20] : memref<2x64x768xf32, #tpu.memory_space<vmem>>, vector<1x64x768xf32>
    %swap3A_22 = vector.shape_cast %swap3A_21 : vector<1x64x768xf32> to vector<64x768xf32>
    %swap3A_23 = vector.shape_cast %get3A_17 : vector<64x768xf32> to vector<1x64x768xf32>
    tpu.vector_store %arg9[%swap3A_18, %swap3A_19, %swap3A_20], %swap3A_23 {strides = array<i32>} : memref<2x64x768xf32, #tpu.memory_space<vmem>>, vector<1x64x768xf32>,
    %get3A_24 = arith.constant 0 : index
    %get3A_25 = arith.constant 0 : index
    %get3A_26 = vector.load %arg17[%get3A_24, %get3A_25] : memref<64x768xf32, #tpu.memory_space<vmem>>, vector<64x768xf32>
    %swap3A_27 = arith.constant 1 : index
    %swap3A_28 = arith.constant 0 : index
    %swap3A_29 = arith.constant 0 : index
    %swap3A_30 = vector.load %arg9[%swap3A_27, %swap3A_28, %swap3A_29] : memref<2x64x768xf32, #tpu.memory_space<vmem>>, vector<1x64x768xf32>
    %swap3A_31 = vector.shape_cast %swap3A_30 : vector<1x64x768xf32> to vector<64x768xf32>
    %swap3A_32 = vector.shape_cast %get3A_26 : vector<64x768xf32> to vector<1x64x768xf32>
    tpu.vector_store %arg9[%swap3A_27, %swap3A_28, %swap3A_29], %swap3A_32 {strides = array<i32>} : memref<2x64x768xf32, #tpu.memory_space<vmem>>, vector<1x64x768xf32>,
    %get3A_33 = arith.constant 0 : index
    %get3A_34 = arith.constant 0 : index
    %get3A_35 = vector.load %arg16[%get3A_33, %get3A_34] : memref<64x768xf32, #tpu.memory_space<vmem>>, vector<64x768xf32>
    %swap3A_36 = arith.constant 0 : index
    %swap3A_37 = arith.constant 0 : index
    %swap3A_38 = arith.constant 0 : index
    %swap3A_39 = vector.load %arg10[%swap3A_36, %swap3A_37, %swap3A_38] : memref<2x64x768xf32, #tpu.memory_space<vmem>>, vector<1x64x768xf32>
    %swap3A_40 = vector.shape_cast %swap3A_39 : vector<1x64x768xf32> to vector<64x768xf32>
    %swap3A_41 = vector.shape_cast %get3A_35 : vector<64x768xf32> to vector<1x64x768xf32>
    tpu.vector_store %arg10[%swap3A_36, %swap3A_37, %swap3A_38], %swap3A_41 {strides = array<i32>} : memref<2x64x768xf32, #tpu.memory_space<vmem>>, vector<1x64x768xf32>,
    %get3A_42 = arith.constant 0 : index
    %get3A_43 = arith.constant 0 : index
    %get3A_44 = vector.load %arg18[%get3A_42, %get3A_43] : memref<64x768xf32, #tpu.memory_space<vmem>>, vector<64x768xf32>
    %swap3A_45 = arith.constant 1 : index
    %swap3A_46 = arith.constant 0 : index
    %swap3A_47 = arith.constant 0 : index
    %swap3A_48 = vector.load %arg10[%swap3A_45, %swap3A_46, %swap3A_47] : memref<2x64x768xf32, #tpu.memory_space<vmem>>, vector<1x64x768xf32>
    %swap3A_49 = vector.shape_cast %swap3A_48 : vector<1x64x768xf32> to vector<64x768xf32>
    %swap3A_50 = vector.shape_cast %get3A_44 : vector<64x768xf32> to vector<1x64x768xf32>
    tpu.vector_store %arg10[%swap3A_45, %swap3A_46, %swap3A_47], %swap3A_50 {strides = array<i32>} : memref<2x64x768xf32, #tpu.memory_space<vmem>>, vector<1x64x768xf32>,
    return
  }
}

</mosaic_0001>

<sc_bundles>
// kernel: kernel.4.cloned.1.call-start
scs
__scs_entry_jumppad:
0x0: {  	(pc) =	sbr.rel $0x88, $3  }
0x1: {  	(tag) =	ssettag $0x0;
	lr =	simm.s32 $0x1  }
0x2: {  	[smem:$0x3F97] =	sst lr;
	_ =	strace $0xD0000000  }
0x3: {  	_ = 	snop  }
0x4: {  	_ = 	snop  }
0x5: {  	_ = 	snop  }
0x6: {  	_ = 	snop  }
0x7: {  	_ = 	snop  }
__scs_overlays_trampoline_lowered:
0x8: {  	[smem:$0x3FA6] =	sst s0  }
0x9: {  	[smem:$0x3FA7] =	sst s1  }
0xa: {  	[smem:$0x3FA8] =	sst s2  }
0xb: {  	[smem:$0x3FA9] =	sst s3  }
0xc: {  	[smem:$0x3FAA] =	sst s4  }
0xd: {  	[smem:$0x3FAB] =	sst s5  }
0xe: {  	[smem:$0x3FAC] =	sst s6  }
0xf: {  	[smem:$0x3FAD] =	sst s7  }
0x10: {  	[smem:$0x3FAE] =	sst s8  }
0x11: {  	[smem:$0x3FAF] =	sst s9;
	s0 =	simm.s32 @!p0 $0x0  }
0x12: {  	s1 =	sld [smem:$0x3F95];
	s0 =	simm.s32 @p0 $0x1  }
0x13: {  	[smem:$0x3FB0] =	sst s0;
	s0 =	simm.s32 @!p1 $0x0  }
0x14: {  	s2 =	sld [smem:$0x3F94];
	s0 =	simm.s32 @p1 $0x1  }
0x15: {  	[smem:$0x3FB1] =	sst s0;
	s0 =	simm.s32 @!p2 $0x0  }
0x16: {  	s3 =	sld [smem:$0x3FDB];
	s0 =	simm.s32 @p2 $0x1  }
0x17: {  	s4 =	simm.s32 $0x1BF5;
	[smem:$0x3FB3] =	sst s0  }
0x18: {  	s0 =	sld [smem:$0x3F96];
	_ =	swait.ge [sflag:s4], $0x0  }
0x19: {  	s7 =	sld [smem:$0x3F97]  }
0x1a: {  	s8 =	sadd.s32 $0xFFFFE003, lr  }
0x1b: {  	s9 =	sadd.s32 $0xFFFFFEF7, lr;
	s5 =	simm.s32 $0xFFFFFFFF;
	p2 =	slt.u32 s8, $0xFFFFF086  }
0x1c: {  	p1 =	slt.u32 s9, $0xF7A;
	s5 =	simm.s32 @!p2 $0x0  }
0x1d: {  	s5 =	simm.s32 @p1 $0x1;
	p0 =	seq.s32 s7, s2  }
0x1e: {  	s7 =	smul.u32 @!p0 $0xF7A, s2;
	p2 =	seq.s32 @!p0 s5, $0x0  }
0x1f: {  	s9 =	smul.u32 $0xF7A, s1;
	s8 =	simm.s32 @!p0 $0x1BF5;
	p2 =	por !p2, p0  }
0x20: {  	[sflag:s8] =	ssyncset.s32 @!p0 $0xFFFFF086;
	s6 =	sadd.s32 @!p0 s3, s7;
	s7 =	simm.s32 @!p0 $0x108  }
0x21: {  	s3 =	sadd.s32 s3, s9;
	s6 =	sadd.s32 @!p0 $0x88, s6;
	s7 =	simm.s32 @p2 $0x1082  }
0x22: {  	[simem:s7], [sflag:s8] =	dma.local @!p0 [hbm:s6], $0xF7A  }
0x23: {  	s9 =	sor.u32 $0xD0000000, s2;
	s6 =	simm.s32 $0x108;
	_ =	swait.ge @!p0 [sflag:s8], $0x0  }
0x24: {  	s3 =	sadd.s32 $0x88, s3;
	s6 =	simm.s32 @!p1 $0x1082;
	[sflag:s4] =	ssyncset.s32 $0xFFFFF086  }
0x25: {  	[simem:s6], [sflag:s4] =	dma.local [hbm:s3], $0xF7A  }
0x26: {  	[smem:$0x3F97] =	sst s1;
	(tag) =	ssettag s2;
	_ =	strace s9  }
0x27: {  	s1 =	sld [smem:$0x3FA7]  }
0x28: {  	s2 =	sld [smem:$0x3FA8]  }
0x29: {  	s4 =	sld [smem:$0x3FAA]  }
0x2a: {  	p0 =	seq.s32 s5, $0x0;
	s5 =	sld [smem:$0x3FAB]  }
0x2b: {  	s6 =	sld [smem:$0x3FAC]  }
0x2c: {  	s7 =	sld [smem:$0x3FAD]  }
0x2d: {  	s3 =	simm.s32 $0x108;
	s8 =	sld [smem:$0x3FAE]  }
0x2e: {  	s3 =	simm.s32 @!p0 $0x1082;
	s9 =	sld [smem:$0x3FAF]  }
0x2f: {  	lr =	sadd.s32 s0, s3;
	s0 =	sld [smem:$0x3FA6]  }
0x30: {  	s3 =	sld [smem:$0x3FA9]  }
0x31: {  	[smem:$0x3FB2] =	sst s10  }
0x32: {  	s10 =	sld [smem:$0x3FB0];
	_ =	sdelay $0x3  }
0x33: {  	p0 =	seq.s32 s10, $0x1;
	s10 =	sld [smem:$0x3FB2];
	_ =	sdelay $0x3  }
0x34: {  	[smem:$0x3FB2] =	sst s10  }
0x35: {  	s10 =	sld [smem:$0x3FB1];
	_ =	sdelay $0x3  }
0x36: {  	p1 =	seq.s32 s10, $0x1;
	s10 =	sld [smem:$0x3FB2];
	_ =	sdelay $0x3  }
0x37: {  	[smem:$0x3FB2] =	sst s10  }
0x38: {  	s10 =	sld [smem:$0x3FB3]  }
0x39: {  	_ = 	snop;
	(pc) =	sbr.ind lr, $3  }
0x3a: {  	_ = 	snop  }
0x3b: {  	_ = 	snop  }
0x3c: {  	p2 =	seq.s32 s10, $0x1;
	s10 =	sld [smem:$0x3FB2]  }
0x3d: {  	_ =	shalt  }
0x3e: {  	_ =	shalt  }
0x3f: {  	_ =	shalt  }
0x40: {  	_ =	shalt  }
0x41: {  	_ =	shalt  }
0x42: {  	_ =	shalt  }
0x43: {  	_ =	shalt  }
0x44: {  	_ =	shalt  }
0x45: {  	_ =	shalt  }
0x46: {  	_ =	shalt  }
0x47: {  	_ =	shalt  }
0x48: {  	_ =	shalt  }
0x49: {  	_ =	shalt  }
0x4a: {  	_ =	shalt  }
0x4b: {  	_ =	shalt  }
0x4c: {  	_ =	shalt  }
0x4d: {  	_ =	shalt  }
0x4e: {  	_ =	shalt  }
0x4f: {  	_ =	shalt  }
0x50: {  	_ =	shalt  }
0x51: {  	_ =	shalt  }
0x52: {  	_ =	shalt  }
0x53: {  	_ =	shalt  }
0x54: {  	_ =	shalt  }
0x55: {  	_ =	shalt  }
0x56: {  	_ =	shalt  }
0x57: {  	_ =	shalt  }
0x58: {  	_ =	shalt  }
0x59: {  	_ =	shalt  }
0x5a: {  	_ =	shalt  }
0x5b: {  	_ =	shalt  }
0x5c: {  	_ =	shalt  }
0x5d: {  	_ =	shalt  }
0x5e: {  	_ =	shalt  }
0x5f: {  	_ =	shalt  }
0x60: {  	_ =	shalt  }
0x61: {  	_ =	shalt  }
0x62: {  	_ =	shalt  }
0x63: {  	_ =	shalt  }
0x64: {  	_ =	shalt  }
0x65: {  	_ =	shalt  }
0x66: {  	_ =	shalt  }
0x67: {  	_ =	shalt  }
0x68: {  	_ =	shalt  }
0x69: {  	_ =	shalt  }
0x6a: {  	_ =	shalt  }
0x6b: {  	_ =	shalt  }
0x6c: {  	_ =	shalt  }
0x6d: {  	_ =	shalt  }
0x6e: {  	_ =	shalt  }
0x6f: {  	_ =	shalt  }
0x70: {  	_ =	shalt  }
0x71: {  	_ =	shalt  }
0x72: {  	_ =	shalt  }
0x73: {  	_ =	shalt  }
0x74: {  	_ =	shalt  }
0x75: {  	_ =	shalt  }
0x76: {  	_ =	shalt  }
0x77: {  	_ =	shalt  }
0x78: {  	_ =	shalt  }
0x79: {  	_ =	shalt  }
0x7a: {  	_ =	shalt  }
0x7b: {  	_ =	shalt  }
0x7c: {  	_ =	shalt  }
0x7d: {  	_ =	shalt  }
0x7e: {  	_ =	shalt  }
0x7f: {  	_ =	shalt  }
0x80: {  	_ =	shalt  }
0x81: {  	_ =	shalt  }
0x82: {  	_ =	shalt  }
0x83: {  	_ =	shalt  }
0x84: {  	_ =	shalt  }
0x85: {  	_ =	shalt  }
0x86: {  	_ =	shalt  }
0x87: {  	_ =	shalt  }
.Lfunc_end0:
.L_simem_size_0:
called_computation_lowered:
.L_overlay_start_0:
0x88: {  	s2 =	sld [smem:$0x3FD9]  }
0x89: {  	s3 =	sld [smem:$0x3FFE];
	_ =	sdelay $0x1  }
0x8a: {  	s1 =	srdreg.scid  }
0x8b: {  	s0 =	sand.u32 $0x1, s1  }
0x8c: {  	s14 =	sshll.u32 s0, $0xA;
	s2 =	sadd.s32 s3, s2  }
0x8d: {  	s2 =	sadd.s32 s2, s14  }
0x8e: {  	[smem:$0x3FBE] =	sst s2  }
0x8f: {  	_ = 	snop  }
0x90: {  	s2 =	sld [smem:$0x3FD0];
	_ =	sdelay $0x2  }
0x91: {  	s4 =	simm.s32 $0xA;
	s5 =	simm.s32 $0x10;
	s15 =	sld [smem:$0x3FC8]  }
0x92: {  	[smem:s5], [sflag:s4] =	dma.local [hbm:s2], $0x1  }
0x93: {  	_ =	swait.eq [sflag:s4], $0x1  }
0x94: {  	[sflag:s4] =	ssyncset.done $0x0  }
0x95: {  	[sflag:s4] =	ssyncadd.s32 $0xFFFFFFFF  }
0x96: {  	s16 =	sld [smem:$0x12];
	(tm) =	ssettm $0x1  }
0x97: {  	s17 =	sld [smem:$0x3FFB];
	_ =	sdelay $0x3  }
0x98: {  	_ =	strace s17  }
0x99: {  	s4 =	sld [smem:$0x3FFC];
	_ =	sdelay $0x3  }
0x9a: {  	_ =	strace s4  }
0x9b: {  	s4 =	sld [smem:$0x3FFD];
	_ =	sdelay $0x3  }
0x9c: {  	_ =	strace s4  }
0x9d: {  	_ =	strace $0x8FFFFFFF  }
0x9e: {  	s18 =	sld [smem:$0x3FDB];
	_ =	sdelay $0x1  }
0x9f: {  	s19 =	simm.s32 $_scs_section_size  }
0xa0: {  	s6 =	simm.s32 $_size__tile_overlayer_lowered;
	s7 =	simm.s32 $_tile_overlayer_lowered  }
0xa1: {  	s22 =	simm.s32 $0x1BFF;
	s21 =	sshll.u32 s7, $0x1;
	s4 =	sadd.s32 s19, s18  }
0xa2: {  	s8 =	simm.s32 $0x0;
	s20 =	sshll.u32 s6, $0x1;
	s6 =	sadd.s32 s21, s4  }
0xa3: {  	[timem:s8], [sflag:s22] =	dma.local [hbm:s6], s20  }
0xa4: {  	_ =	swait.ge [sflag:s22], s20  }
0xa5: {  	s5 =	ssub.s32 $0x0, s20;
	[sflag:s22] =	ssyncset.done $0x0  }
0xa6: {  	[sflag:s22] =	ssyncadd.s32 s5;
	_ =	sdelay $0x1  }
0xa7: {  	s23 =	simm.s32 $0x1B8B  }
0xa8: {  	_ =	swait.ge [sflag:s23], $0x1  }
0xa9: {  	[sflag:s23] =	ssyncset.done $0x0  }
0xaa: {  	s25 =	simm.s32 $0x1B8E;
	s24 =	sld [smem:$0x3FFE];
	[sflag:s23] =	ssyncadd.s32 $0xFFFFFFFF  }
0xab: {  	s26 =	simm.s32 $execute0_lowered;
	[smem:$0x3FD2] =	sst s25  }
0xac: {  	s6 =	sshll.u32 s26, $0x1;
	_ =	strace $0x80000046;
	[dreg:$0x1] =	wrdreg $0xFFFFFFFF  }
0xad: {  	s28 =	simm.s32 $_size_execute0_lowered;
	s4 =	sadd.s32 s4, s6;
	[dreg:$0x0] =	wrdreg $0x0  }
0xae: {  	s6 =	sshll.u32 s28, $0x1;
	[dreg:$0x2] =	wrdreg s4  }
0xaf: {  	[dreg:$0x3] =	wrdreg s6  }
0xb0: {  	[dreg:$0x4] =	wrdreg $0xC0  }
0xb1: {  	_ =	task [dreg:s8], $0x5FFFF  }
0xb2: {  	[dreg:$0x1] =	wrdreg $0xFFFFFFFF  }
0xb3: {  	[dreg:$0x0] =	wrdreg $0x60  }
0xb4: {  	[dreg:$0x2] =	wrdreg s15  }
0xb5: {  	[dreg:$0x3] =	wrdreg s16  }
0xb6: {  	[dreg:$0x4] =	wrdreg s24  }
0xb7: {  	[dreg:$0x5] =	wrdreg $0x9  }
0xb8: {  	_ =	task.clear_ibuf [dreg:s8], $0x6FFFF;
	_ =	strace $0x90000046  }
0xb9: {  	s29 =	simm.s32 $0x9;
	_ =	strace $0x80000048  }
0xba: {  	_ =	swait.ge [sflag:s29], $0x1  }
0xbb: {  	[sflag:s29] =	ssyncadd.s32 $0xFFFFFFFF  }
0xbc: {  	_ =	strace $0x90000048  }
0xbd: {  	_ =	sfence  }
0xbe: {  	s30 =	sld [smem:$0x0];
	_ =	sdelay $0x2  }
0xbf: {  	s31 =	sshll.u32 s1, $0xD;
	s1 =	sshrl.u32 s1, $0x2  }
0xc0: {  	s3 =	sand.u32 $0x4000, s31;
	s1 =	sadd.s32 s1, s30  }
0xc1: {  	s0 =	sor.u32 s3, s0;
	s1 =	sshll.u32 s1, $0x11  }
0xc2: {  	s0 =	sor.u32 s1, s0  }
0xc3: {  	s0 =	sadd.s32 $0x8F2B, s0  }
0xc4: {  	[sflag:s0] =	ssyncadd.remote.s32 $0x1  }
0xc5: {  	_ =	sfence.sel $0xFFFF  }
0xc6: {  	[dreg:$0x0] =	wrdreg $0xFFFFFFFF;
	(pc) =	sbr.abs _section_cstart, $3  }
0xc7: {  	[dreg:$0x1] =	wrdreg $0xFFFFFFFF  }
0xc8: {  	_ =	task.clear_ibuf [dreg:s8], $0x2FFFF;
	_ =	strace $0x9FFFFFFF  }
0xc9: {  	(tm) =	ssettm $0x7FFFFFFF  }
tec
execute0_lowered:
.L_overlay_start_1:
0x0: {  	(tag) =	ssettag $0x1  }
0x1: {  	s2 =	srdreg.scid  }
0x2: {  	s0 =	stileid.u32;
	s1 =	rddreg [dreg:$0x0]  }
0x3: {  	s4 =	rddreg [dreg:$0x1];
	s2 =	sand.u32 $0x1, s2;
	s3 =	sshll.u32 s0, $0x1  }
0x4: {  	s6 =	rddreg [dreg:$0x2];
	s5 =	sor.u32 s2, s3;
	s3 =	simm.s32 $0x0  }
0x5: {  	s10 =	simm.s32 $0x880;
	[smem:$0x7FF] =	sst s3  }
0x6: {  	s11 =	simm.s32 $0x1080;
	_ =	strace $0x80000047;
	[dreg:$0x6] =	wrdreg s10  }
0x7: {  	s12 =	simm.s32 $0x1880;
	[dreg:$0x7] =	wrdreg s11  }
0x8: {  	s13 =	simm.s32 $0x2080;
	[dreg:$0x8] =	wrdreg s12  }
0x9: {  	s14 =	simm.s32 $0x2880;
	[dreg:$0x9] =	wrdreg s13  }
0xa: {  	s15 =	simm.s32 $0x3080;
	[dreg:$0xa] =	wrdreg s14  }
0xb: {  	s16 =	simm.s32 $0x3880;
	[dreg:$0xb] =	wrdreg s15  }
0xc: {  	s17 =	simm.s32 $0x4080;
	[dreg:$0xc] =	wrdreg s16  }
0xd: {  	s18 =	simm.s32 $0x4880;
	s20 =	simm.s32 $0x5080;
	[dreg:$0xd] =	wrdreg s17  }
0xe: {  	s21 =	simm.s32 $0x5880;
	s22 =	simm.s32 $0x6080;
	[dreg:$0xe] =	wrdreg s18  }
0xf: {  	s23 =	simm.s32 $0x6880;
	s24 =	simm.s32 $0x7080;
	[dreg:$0xf] =	wrdreg s20  }
0x10: {  	s25 =	simm.s32 $0x7880;
	s8 =	simm.s32 $0x80;
	[dreg:$0x10] =	wrdreg s21  }
0x11: {  	s26 =	simm.s32 $0x8080;
	s28 =	simm.s32 $0x11880;
	[dreg:$0x11] =	wrdreg s22  }
0x12: {  	s29 =	simm.s32 $0x12080;
	s30 =	simm.s32 $0x12880;
	[dreg:$0x12] =	wrdreg s23  }
0x13: {  	s31 =	simm.s32 $0x13080;
	s2 =	ssub.s32 $0x2, s2;
	[dreg:$0x13] =	wrdreg s24  }
0x14: {  	s7 =	smul.u32 $0x2700, s5;
	s19 =	sshrl.u32 s2, $0x1;
	[dreg:$0x14] =	wrdreg s25  }
0x15: {  	s5 =	smul.u32 $0xD, s5;
	s2 =	ssub.s32 s2, s19;
	[dreg:$0x15] =	wrdreg s26  }
0x16: {  	s10 =	simm.s32 $0x9080;
	s11 =	simm.s32 $0x9880;
	s12 =	simm.s32 $0xA080  }
0x17: {  	s13 =	simm.s32 $0xA880;
	s14 =	simm.s32 $0xB080;
	s15 =	simm.s32 $0xB880  }
0x18: {  	s16 =	simm.s32 $0xC080;
	s17 =	simm.s32 $0xC880;
	s18 =	simm.s32 $0xD080  }
0x19: {  	s19 =	simm.s32 $0xD880;
	s20 =	simm.s32 $0xE080;
	s21 =	simm.s32 $0xE880  }
0x1a: {  	s22 =	simm.s32 $0xF080;
	s23 =	simm.s32 $0xF880;
	s24 =	simm.s32 $0x10080  }
0x1b: {  	s25 =	simm.s32 $0x10880;
	s26 =	simm.s32 $0x11080;
	s6 =	sadd.s32 s7, s6  }
0x1c: {  	v2 =	vlaneseq.u32;
	s4 =	sadd.s32 s4, s5;
	s5 =	sadd.s32 $0x200, s1;
	s7 =	simm.s32 $0x2  }
0x1d: {  	vm0 =	vmmov $0xffff;
	v1 =	vshrl.u32 v2, $0x3;
	[dreg:$0x4] =	wrdreg s4;
	s9 =	sadd.s32 $0x2000, s6;
	s4 =	sadd.s32 $0x100, s1  }
0x1e: {  	v0 =	vand.u32 $0x7, v2;
	v2 =	vor.u32 $0x8, v2;
	v1 =	vmul.u32 $0x8, v1;
	s6 =	smax.u32 s2, $0x1;
	s2 =	simm.s32 $0x1;
	[dreg:$0x5] =	wrdreg s9  }
.LBB2_1:
0x1f: {  	s0 =	rddreg [dreg:$0x4]  }
0x20: {  	[tilespmem:s3], [sflag:$0x2] =	stream.linear.gather [hbm4b:s0+s3], $0x68, $0x38;
	[tilespmem:$0x13880] =	vst v63  }
0x21: {  	_ =	swait.ge [sflag:s7], $0x68  }
0x22: {  	[sflag:s7] =	ssyncset.done $0x0  }
0x23: {  	[sflag:s7] =	ssyncadd.s32 $0xFFFFFF98  }
0x24: {  	v3 =	vld [tilespmem:$0x0];
	_ =	sdelay $0x4  }
0x25: {  	v4 =	vshrl.u32 v3, $0x3  }
0x26: {  	v4 =	vmul.u32 $0x30, v4  }
0x27: {  	v3 =	vand.u32 $0x7, v3  }
0x28: {  	v3 =	vor.u32 v3, v4  }
0x29: {  	v4 =	vperm.xlane v3, v0;
	_ =	sdelay $0x1  }
0x2a: {  	v4 =	vadd.s32 v1, v4;
	_ =	sdelay $0x3  }
0x2b: {  	v3 =	vperm.xlane v3, v2  }
0x2c: {  	[tilespmem:s8], [sflag:$0x1] =	stream.indirect_vreg.gather [hbm4b:s1+s3], $0x80, v4, vm0, $0xb8;
	[tilespmem:$0x13880] =	vst v63  }
0x2d: {  	s0 =	rddreg [dreg:$0x6];
	v3 =	vadd.s32 v1, v3  }
0x2e: {  	[tilespmem:s0], [sflag:$0x1] =	stream.indirect_vreg.gather [hbm4b:s4+s3], $0x80, v4, vm0, $0xb8;
	[tilespmem:$0x13880] =	vst v63  }
0x2f: {  	s9 =	rddreg [dreg:$0x7]  }
0x30: {  	[tilespmem:s9], [sflag:$0x1] =	stream.indirect_vreg.gather [hbm4b:s5+s3], $0x80, v4, vm0, $0xb8;
	[tilespmem:$0x13880] =	vst v63  }
0x31: {  	s0 =	rddreg [dreg:$0x8]  }
0x32: {  	[tilespmem:s0], [sflag:$0x1] =	stream.indirect_vreg.gather [hbm4b:s1+s3], $0x80, v3, vm0, $0xb8;
	[tilespmem:$0x13880] =	vst v63  }
0x33: {  	s9 =	rddreg [dreg:$0x9]  }
0x34: {  	[tilespmem:s9], [sflag:$0x1] =	stream.indirect_vreg.gather [hbm4b:s4+s3], $0x80, v3, vm0, $0xb8;
	[tilespmem:$0x13880] =	vst v63  }
0x35: {  	s0 =	rddreg [dreg:$0xa]  }
0x36: {  	[tilespmem:s0], [sflag:$0x1] =	stream.indirect_vreg.gather [hbm4b:s5+s3], $0x80, v3, vm0, $0xb8;
	[tilespmem:$0x13880] =	vst v63  }
0x37: {  	v3 =	vld [tilespmem:$0x10];
	_ =	sdelay $0x4  }
0x38: {  	v58 =	vshrl.u32 v3, $0x3  }
0x39: {  	v4 =	vmul.u32 $0x30, v58  }
0x3a: {  	v3 =	vand.u32 $0x7, v3  }
0x3b: {  	v3 =	vor.u32 v3, v4  }
0x3c: {  	v4 =	vperm.xlane v3, v0;
	_ =	sdelay $0x1  }
0x3d: {  	v4 =	vadd.s32 v1, v4;
	_ =	sdelay $0x3  }
0x3e: {  	s0 =	rddreg [dreg:$0xb];
	v3 =	vperm.xlane v3, v2  }
0x3f: {  	[tilespmem:s0], [sflag:$0x1] =	stream.indirect_vreg.gather [hbm4b:s1+s3], $0x80, v4, vm0, $0xb8;
	[tilespmem:$0x13880] =	vst v63  }
0x40: {  	s9 =	rddreg [dreg:$0xc];
	v3 =	vadd.s32 v1, v3  }
0x41: {  	[tilespmem:s9], [sflag:$0x1] =	stream.indirect_vreg.gather [hbm4b:s4+s3], $0x80, v4, vm0, $0xb8;
	[tilespmem:$0x13880] =	vst v63  }
0x42: {  	s0 =	rddreg [dreg:$0xd]  }
0x43: {  	[tilespmem:s0], [sflag:$0x1] =	stream.indirect_vreg.gather [hbm4b:s5+s3], $0x80, v4, vm0, $0xb8;
	[tilespmem:$0x13880] =	vst v63  }
0x44: {  	s9 =	rddreg [dreg:$0xe]  }
0x45: {  	[tilespmem:s9], [sflag:$0x1] =	stream.indirect_vreg.gather [hbm4b:s1+s3], $0x80, v3, vm0, $0xb8;
	[tilespmem:$0x13880] =	vst v63  }
0x46: {  	s0 =	rddreg [dreg:$0xf]  }
0x47: {  	[tilespmem:s0], [sflag:$0x1] =	stream.indirect_vreg.gather [hbm4b:s4+s3], $0x80, v3, vm0, $0xb8;
	[tilespmem:$0x13880] =	vst v63  }
0x48: {  	s9 =	rddreg [dreg:$0x10]  }
0x49: {  	[tilespmem:s9], [sflag:$0x1] =	stream.indirect_vreg.gather [hbm4b:s5+s3], $0x80, v3, vm0, $0xb8;
	[tilespmem:$0x13880] =	vst v63  }
0x4a: {  	v3 =	vld [tilespmem:$0x20];
	_ =	sdelay $0x4  }
0x4b: {  	v59 =	vshrl.u32 v3, $0x3  }
0x4c: {  	v4 =	vmul.u32 $0x30, v59  }
0x4d: {  	v3 =	vand.u32 $0x7, v3  }
0x4e: {  	v3 =	vor.u32 v3, v4  }
0x4f: {  	v4 =	vperm.xlane v3, v0;
	_ =	sdelay $0x1  }
0x50: {  	v4 =	vadd.s32 v1, v4;
	_ =	sdelay $0x3  }
0x51: {  	s0 =	rddreg [dreg:$0x11];
	v3 =	vperm.xlane v3, v2  }
0x52: {  	[tilespmem:s0], [sflag:$0x1] =	stream.indirect_vreg.gather [hbm4b:s1+s3], $0x80, v4, vm0, $0xb8;
	[tilespmem:$0x13880] =	vst v63  }
0x53: {  	s9 =	rddreg [dreg:$0x12];
	v3 =	vadd.s32 v1, v3  }
0x54: {  	[tilespmem:s9], [sflag:$0x1] =	stream.indirect_vreg.gather [hbm4b:s4+s3], $0x80, v4, vm0, $0xb8;
	[tilespmem:$0x13880] =	vst v63  }
0x55: {  	s0 =	rddreg [dreg:$0x13]  }
0x56: {  	[tilespmem:s0], [sflag:$0x1] =	stream.indirect_vreg.gather [hbm4b:s5+s3], $0x80, v4, vm0, $0xb8;
	[tilespmem:$0x13880] =	vst v63  }
0x57: {  	s9 =	rddreg [dreg:$0x14]  }
0x58: {  	[tilespmem:s9], [sflag:$0x1] =	stream.indirect_vreg.gather [hbm4b:s1+s3], $0x80, v3, vm0, $0xb8;
	[tilespmem:$0x13880] =	vst v63  }
0x59: {  	s0 =	rddreg [dreg:$0x15]  }
0x5a: {  	[tilespmem:s0], [sflag:$0x1] =	stream.indirect_vreg.gather [hbm4b:s4+s3], $0x80, v3, vm0, $0xb8;
	[tilespmem:$0x13880] =	vst v63  }
0x5b: {  	s9 =	simm.s32 $0x8880  }
0x5c: {  	[tilespmem:s9], [sflag:$0x1] =	stream.indirect_vreg.gather [hbm4b:s5+s3], $0x80, v3, vm0, $0xb8;
	[tilespmem:$0x13880] =	vst v63  }
0x5d: {  	v3 =	vld [tilespmem:$0x30];
	_ =	sdelay $0x4  }
0x5e: {  	v60 =	vshrl.u32 v3, $0x3  }
0x5f: {  	v4 =	vmul.u32 $0x30, v60  }
0x60: {  	v3 =	vand.u32 $0x7, v3  }
0x61: {  	v3 =	vor.u32 v3, v4  }
0x62: {  	v4 =	vperm.xlane v3, v0;
	_ =	sdelay $0x1  }
0x63: {  	v4 =	vadd.s32 v1, v4;
	_ =	sdelay $0x3  }
0x64: {  	v3 =	vperm.xlane v3, v2  }
0x65: {  	[tilespmem:s10], [sflag:$0x1] =	stream.indirect_vreg.gather [hbm4b:s1+s3], $0x80, v4, vm0, $0xb8;
	[tilespmem:$0x13880] =	vst v63  }
0x66: {  	v3 =	vadd.s32 v1, v3  }
0x67: {  	[tilespmem:s11], [sflag:$0x1] =	stream.indirect_vreg.gather [hbm4b:s4+s3], $0x80, v4, vm0, $0xb8;
	[tilespmem:$0x13880] =	vst v63  }
0x68: {  	_ = 	snop  }
0x69: {  	[tilespmem:s12], [sflag:$0x1] =	stream.indirect_vreg.gather [hbm4b:s5+s3], $0x80, v4, vm0, $0xb8;
	[tilespmem:$0x13880] =	vst v63  }
0x6a: {  	_ = 	snop  }
0x6b: {  	[tilespmem:s13], [sflag:$0x1] =	stream.indirect_vreg.gather [hbm4b:s1+s3], $0x80, v3, vm0, $0xb8;
	[tilespmem:$0x13880] =	vst v63  }
0x6c: {  	_ = 	snop  }
0x6d: {  	[tilespmem:s14], [sflag:$0x1] =	stream.indirect_vreg.gather [hbm4b:s4+s3], $0x80, v3, vm0, $0xb8;
	[tilespmem:$0x13880] =	vst v63  }
0x6e: {  	_ = 	snop  }
0x6f: {  	[tilespmem:s15], [sflag:$0x1] =	stream.indirect_vreg.gather [hbm4b:s5+s3], $0x80, v3, vm0, $0xb8;
	[tilespmem:$0x13880] =	vst v63  }
0x70: {  	v3 =	vld [tilespmem:$0x40];
	_ =	sdelay $0x4  }
0x71: {  	v61 =	vshrl.u32 v3, $0x3  }
0x72: {  	v4 =	vmul.u32 $0x30, v61  }
0x73: {  	v3 =	vand.u32 $0x7, v3  }
0x74: {  	v3 =	vor.u32 v3, v4  }
0x75: {  	v4 =	vperm.xlane v3, v0;
	_ =	sdelay $0x1  }
0x76: {  	v4 =	vadd.s32 v1, v4;
	_ =	sdelay $0x3  }
0x77: {  	v3 =	vperm.xlane v3, v2  }
0x78: {  	[tilespmem:s16], [sflag:$0x1] =	stream.indirect_vreg.gather [hbm4b:s1+s3], $0x80, v4, vm0, $0xb8;
	[tilespmem:$0x13880] =	vst v63  }
0x79: {  	v3 =	vadd.s32 v1, v3  }
0x7a: {  	[tilespmem:s17], [sflag:$0x1] =	stream.indirect_vreg.gather [hbm4b:s4+s3], $0x80, v4, vm0, $0xb8;
	[tilespmem:$0x13880] =	vst v63  }
0x7b: {  	_ = 	snop  }
0x7c: {  	[tilespmem:s18], [sflag:$0x1] =	stream.indirect_vreg.gather [hbm4b:s5+s3], $0x80, v4, vm0, $0xb8;
	[tilespmem:$0x13880] =	vst v63  }
0x7d: {  	_ = 	snop  }
0x7e: {  	[tilespmem:s19], [sflag:$0x1] =	stream.indirect_vreg.gather [hbm4b:s1+s3], $0x80, v3, vm0, $0xb8;
	[tilespmem:$0x13880] =	vst v63  }
0x7f: {  	_ = 	snop  }
0x80: {  	[tilespmem:s20], [sflag:$0x1] =	stream.indirect_vreg.gather [hbm4b:s4+s3], $0x80, v3, vm0, $0xb8;
	[tilespmem:$0x13880] =	vst v63  }
0x81: {  	_ = 	snop  }
0x82: {  	[tilespmem:s21], [sflag:$0x1] =	stream.indirect_vreg.gather [hbm4b:s5+s3], $0x80, v3, vm0, $0xb8;
	[tilespmem:$0x13880] =	vst v63  }
0x83: {  	v3 =	vld [tilespmem:$0x50];
	_ =	sdelay $0x4  }
0x84: {  	v62 =	vshrl.u32 v3, $0x3  }
0x85: {  	v4 =	vmul.u32 $0x30, v62  }
0x86: {  	v3 =	vand.u32 $0x7, v3  }
0x87: {  	v3 =	vor.u32 v3, v4  }
0x88: {  	v4 =	vperm.xlane v3, v0;
	_ =	sdelay $0x1  }
0x89: {  	v4 =	vadd.s32 v1, v4;
	_ =	sdelay $0x3  }
0x8a: {  	v3 =	vperm.xlane v3, v2  }
0x8b: {  	[tilespmem:s22], [sflag:$0x1] =	stream.indirect_vreg.gather [hbm4b:s1+s3], $0x80, v4, vm0, $0xb8;
	[tilespmem:$0x13880] =	vst v63  }
0x8c: {  	v3 =	vadd.s32 v1, v3  }
0x8d: {  	[tilespmem:s23], [sflag:$0x1] =	stream.indirect_vreg.gather [hbm4b:s4+s3], $0x80, v4, vm0, $0xb8;
	[tilespmem:$0x13880] =	vst v63  }
0x8e: {  	_ = 	snop  }
0x8f: {  	[tilespmem:s24], [sflag:$0x1] =	stream.indirect_vreg.gather [hbm4b:s5+s3], $0x80, v4, vm0, $0xb8;
	[tilespmem:$0x13880] =	vst v63  }
0x90: {  	_ = 	snop  }
0x91: {  	[tilespmem:s25], [sflag:$0x1] =	stream.indirect_vreg.gather [hbm4b:s1+s3], $0x80, v3, vm0, $0xb8;
	[tilespmem:$0x13880] =	vst v63  }
0x92: {  	_ = 	snop  }
0x93: {  	[tilespmem:s26], [sflag:$0x1] =	stream.indirect_vreg.gather [hbm4b:s4+s3], $0x80, v3, vm0, $0xb8;
	[tilespmem:$0x13880] =	vst v63  }
0x94: {  	_ = 	snop  }
0x95: {  	[tilespmem:s28], [sflag:$0x1] =	stream.indirect_vreg.gather [hbm4b:s5+s3], $0x80, v3, vm0, $0xb8;
	[tilespmem:$0x13880] =	vst v63  }
0x96: {  	v3 =	vld.msk [tilespmem:$0x60], $0xff;
	_ =	sdelay $0x4  }
0x97: {  	v63 =	vshrl.u32 v3, $0x3  }
0x98: {  	v4 =	vmul.u32 $0x30, v63  }
0x99: {  	v3 =	vand.u32 $0x7, v3  }
0x9a: {  	v3 =	vor.u32 v3, v4  }
0x9b: {  	v3 =	vperm.xlane v3, v0;
	_ =	sdelay $0x1  }
0x9c: {  	v3 =	vadd.s32 v1, v3;
	_ =	sdelay $0x4  }
0x9d: {  	[tilespmem:s29], [sflag:$0x1] =	stream.indirect_vreg.gather [hbm4b:s1+s3], $0x80, v3, vm0, $0xb8;
	[tilespmem:$0x13880] =	vst v63  }
0x9e: {  	_ = 	snop  }
0x9f: {  	[tilespmem:s30], [sflag:$0x1] =	stream.indirect_vreg.gather [hbm4b:s4+s3], $0x80, v3, vm0, $0xb8;
	[tilespmem:$0x13880] =	vst v63  }
0xa0: {  	_ = 	snop  }
0xa1: {  	[tilespmem:s31], [sflag:$0x1] =	stream.indirect_vreg.gather [hbm4b:s5+s3], $0x80, v3, vm0, $0xb8;
	[tilespmem:$0x13880] =	vst v63  }
0xa2: {  	_ =	swait.ge [sflag:s2], $0x13800  }
0xa3: {  	p0 =	sne.s32 s6, $0x1;
	[sflag:s2] =	ssyncset.done $0x0  }
.Ltmp0:
0xa4: {  	s9 =	rddreg [dreg:$0x5];
	[sflag:s2] =	ssyncadd.s32 $0xFFFEC800;
	(pc) =	sbr.rel @p0 .LBB2_1-.Ltmp0, $4  }
0xa5: {  	[hbm4b:s9+s3] =	stream.linear.scatter [tilespmem:s8], [sflag:$0x2], $0x13800, $0x38;
	[tilespmem:$0x13880] =	vst v63  }
0xa6: {  	_ =	swait.ge [sflag:s7], $0x13800  }
0xa7: {  	[sflag:s7] =	ssyncset.done $0x0  }
0xa8: {  	s6 =	sadd.s32 $0xFFFFFFFF, s6;
	[sflag:s7] =	ssyncadd.s32 $0xFFFEC800  }
0xa9: {  	_ =	sfence.sel $0x180000  }
0xaa: {  	[bflag:$0x0] =	sbarrier.arrive $0xFFFF  }
0xab: {  	_ =	strace $0x90000047  }
0xac: {  	s0 =	stileid.u32;
	[bflag:$0x2] =	sbarrier.arrive $0xFFFF  }
0xad: {  	p0 =	sne.s32 s0, $0x0;
	s0 =	rddreg [dreg:$0x3]  }
0xae: {  	s0 =	sadd.s32 @!p0 $0x100000, s0  }
0xaf: {  	[sflag:s0] =	ssyncadd.tile.s32 @!p0 $0x1;
	_ =	shalt  }
.Lfunc_end2:
_tile_overlayer_lowered:
.L_overlay_start_2:
0xb0: {  	(tag) =	ssettag $0x2  }
0xb1: {  	s0 =	rddreg [dreg:$0x0];
	s2 =	stileid.u32  }
0xb2: {  	s1 =	rddreg [dreg:$0x1];
	p0 =	sne.s32 s2, $0x0  }
0xb3: {  	s3 =	rddreg [dreg:$0x2];
	[bflag:$0x3] =	sbarrier.arrive $0xFFFF;
	s2 =	simm.s32 @!p0 $0x1C02  }
0xb4: {  	[timem:s3], [sflag:s2] =	dma.local @!p0 [hbm:s0], s1  }
0xb5: {  	s0 =	simm.s32 @!p0 $0x2  }
0xb6: {  	_ =	swait.ge @!p0 [sflag:s0], s1  }
0xb7: {  	s1 =	ssub.s32 @!p0 $0x0, s1;
	[sflag:s0] =	ssyncset.done @!p0 $0x0  }
0xb8: {  	[sflag:s0] =	ssyncadd.s32 @!p0 s1  }
0xb9: {  	[bflag:$0x3] =	sbarrier.arrive $0xFFFF  }
0xba: {  	_ =	shalt  }

</sc_bundles>
